<compile_context>
chip_gen: v7x
topology: tpu7x:2x2x1
jax: 0.10.2.dev20260603
libtpu: 0.0.44.dev20260713+nightly
codegen_flags: <defaults>
</compile_context>

<pallas_src>
import functools

import jax
import jax.numpy as jnp
from jax import lax
from jax.experimental import pallas as pl
from jax.experimental.pallas import tpu as pltpu
from jax.experimental.pallas import tpu_sc as plsc

N = 10000
E = 320000
D = 128
DE = 16

NC = 2
NS = 16
NW = NC * NS

CH = 96
CPW = 106
E_PAD = CPW * NW * CH
NROW = 10112
ZR = NROW // NS

EPW = E // NW


def _h_body(x_ref, w_ref, o_ref):
    o_ref[...] = jnp.maximum(
        jnp.dot(x_ref[...], w_ref[...], preferred_element_type=jnp.float32), 0.0)


def _gate_body(ea_ref, we_ref, o_ref):
    o_ref[...] = jax.nn.sigmoid(
        jnp.dot(ea_ref[...], we_ref[...], preferred_element_type=jnp.float32))


def _heads_body(h_ref, part_ref, wu_ref, wn_ref, w4_ref, np_ref, pq_ref):
    agg = part_ref[0, :N, :] + part_ref[1, :N, :]
    h2 = jnp.maximum(
        h_ref[...] + jnp.dot(agg, wu_ref[...], preferred_element_type=jnp.float32),
        0.0)
    np_ref[...] = jnp.dot(h2, wn_ref[...], preferred_element_type=jnp.float32)
    pq_ref[...] = jnp.dot(h2, w4_ref[...], preferred_element_type=jnp.float32)


_MESH = plsc.VectorSubcoreMesh(core_axis_name="c", subcore_axis_name="s")


@functools.partial(
    pl.kernel,
    out_type=jax.ShapeDtypeStruct((NC, NROW, D), jnp.float32),
    mesh=_MESH,
    scratch_types=[
        pltpu.VMEM((CH, D), jnp.float32),
        pltpu.VMEM((CH, D), jnp.float32),
        pltpu.VMEM((CH, D), jnp.float32),
        pltpu.VMEM((CH, D), jnp.float32),
        pltpu.VMEM((CH,), jnp.int32),
        pltpu.VMEM((CH,), jnp.int32),
        pltpu.VMEM((CH,), jnp.int32),
        pltpu.VMEM((CH,), jnp.int32),
        pltpu.VMEM((CH,), jnp.int32),
        pltpu.VMEM((CH,), jnp.int32),
        pltpu.VMEM_SHARED((NROW, D), jnp.float32),
        pltpu.SemaphoreType.DMA,
        pltpu.SemaphoreType.DMA,
        pltpu.SemaphoreType.DMA,
        pltpu.SemaphoreType.DMA,
        pltpu.SemaphoreType.DMA,
        pltpu.SemaphoreType.DMA,
        pltpu.SemaphoreType.DMA,
        pltpu.SemaphoreType.DMA,
        pltpu.SemaphoreType.DMA,
    ],
)
def _agg_kernel(h_hbm, gate_hbm, src_hbm, dst_hbm, out_hbm,
                rows0_v, rows1_v, gate0_v, gate1_v,
                gi0_v, gi1_v, di0_v, di1_v, ss0_v, ss1_v, acc_sh,
                sem_r0, sem_r1, sem_g0, sem_g1, sem_s0, sem_s1,
                sem_i0, sem_i1, sem_m):
    cid = lax.axis_index("c")
    sid = lax.axis_index("s")
    wid = cid * NS + sid
    rows_v = (rows0_v, rows1_v)
    gate_v = (gate0_v, gate1_v)
    gi_v = (gi0_v, gi1_v)
    di_v = (di0_v, di1_v)
    ss_v = (ss0_v, ss1_v)
    sem_r = (sem_r0, sem_r1)
    sem_g = (sem_g0, sem_g1)
    sem_s = (sem_s0, sem_s1)
    sem_i = (sem_i0, sem_i1)

    ibase = wid * CPW

    def _fire_idx(i, b):
        pltpu.async_copy(src_hbm.at[pl.ds((ibase + i) * CH, CH)], gi_v[b],
                         sem_i[b])
        pltpu.async_copy(dst_hbm.at[pl.ds((ibase + i) * CH, CH)], di_v[b],
                         sem_i[b])

    def _wait_idx(i, b):
        pltpu.make_async_copy(src_hbm.at[pl.ds((ibase + i) * CH, CH)], gi_v[b],
                              sem_i[b]).wait()
        pltpu.make_async_copy(dst_hbm.at[pl.ds((ibase + i) * CH, CH)], di_v[b],
                              sem_i[b]).wait()

    def _fire(i, b):
        pltpu.async_copy(h_hbm.at[gi_v[b]], rows_v[b], sem_r[b])
        pltpu.async_copy(gate_hbm.at[pl.ds((ibase + i) * CH, CH)],
                         gate_v[b], sem_g[b])

    def _wait_data(i, b):
        pltpu.make_async_copy(h_hbm.at[gi_v[b]], rows_v[b], sem_r[b]).wait()
        pltpu.make_async_copy(gate_hbm.at[pl.ds((ibase + i) * CH, CH)],
                              gate_v[b], sem_g[b]).wait()

    def _wait_scatter(i, b):
        pltpu.make_async_copy(rows_v[b], acc_sh.at[ss_v[b]], sem_s[b]).wait()

    _fire_idx(0, 0)
    _fire_idx(1, 1)

    zero = jnp.zeros((16,), jnp.float32)

    def _zrow(r, _):
        for c in range(D // 16):
            rows0_v[r, pl.ds(c * 16, 16)] = zero
        return 0

    lax.fori_loop(0, CH, _zrow, 0)
    zbase = sid * ZR
    zcp = [
        pltpu.make_async_copy(rows0_v, acc_sh.at[pl.ds(zbase + t * CH, CH)],
                              sem_m)
        for t in range(ZR // CH)
    ] + [
        pltpu.make_async_copy(rows0_v.at[pl.ds(0, ZR % CH)],
                              acc_sh.at[pl.ds(zbase + (ZR // CH) * CH, ZR % CH)],
                              sem_m)
    ]
    for c in zcp:
        c.start()
    for c in zcp:
        c.wait()
    plsc.subcore_barrier()

    _wait_idx(0, 0)
    _fire(0, 0)

    def _pair(j, _):
        for b in range(2):
            i = j * 2 + b
            nb = 1 - b
            _wait_data(i, b)

            @pl.when(i + 1 < CPW)
            def _():
                @pl.when(i >= 1)
                def _():
                    _wait_scatter(i - 1, nb)
                _wait_idx(i + 1, nb)
                _fire(i + 1, nb)

            for c in range(CH // 16):
                s = pl.ds(c * 16, 16)
                ss_v[b][s] = di_v[b][s]

            @pl.when(i + 2 < CPW)
            def _():
                _fire_idx(i + 2, b)

            def _mul(r, _):
                for c in range(D // 16):
                    s = pl.ds(c * 16, 16)
                    rows_v[b][r, s] = rows_v[b][r, s] * gate_v[b][r, s]
                return 0

            lax.fori_loop(0, CH, _mul, 0)
            pltpu.async_copy(rows_v[b], acc_sh.at[ss_v[b]], sem_s[b], add=True)
        return 0

    lax.fori_loop(0, CPW // 2, _pair, 0)
    _wait_scatter(CPW - 2, 0)
    _wait_scatter(CPW - 1, 1)
    plsc.subcore_barrier()

    ob = sid * ZR
    pltpu.sync_copy(acc_sh.at[pl.ds(ob, ZR)], out_hbm.at[cid, pl.ds(ob, ZR)])


@functools.partial(
    pl.kernel,
    out_type=jax.ShapeDtypeStruct((E * 2,), jnp.float32),
    mesh=_MESH,
    scratch_types=[
        pltpu.VMEM((N * 4,), jnp.float32),
        pltpu.VMEM((EPW,), jnp.int32),
        pltpu.VMEM((EPW,), jnp.int32),
        pltpu.VMEM((EPW * 2,), jnp.float32),
        pltpu.SemaphoreType.DMA,
    ],
    compiler_params=pltpu.CompilerParams(needs_layout_passes=False),
)
def _edge_kernel(pq_hbm, src_hbm, dst_hbm, out_hbm,
                 pq_v, src_v, dst_v, out_v, sem):
    cid = lax.axis_index("c")
    sid = lax.axis_index("s")
    wid = cid * NS + sid
    ebase = wid * EPW
    pltpu.async_copy(pq_hbm, pq_v, sem)
    pltpu.async_copy(src_hbm.at[pl.ds(ebase, EPW)], src_v, sem)
    pltpu.async_copy(dst_hbm.at[pl.ds(ebase, EPW)], dst_v, sem)
    pltpu.make_async_copy(pq_hbm, pq_v, sem).wait()
    pltpu.make_async_copy(src_hbm.at[pl.ds(ebase, EPW)], src_v, sem).wait()
    pltpu.make_async_copy(dst_hbm.at[pl.ds(ebase, EPW)], dst_v, sem).wait()
    lane = lax.iota(jnp.int32, 16)

    def _grp(g, _):
        gb = g * 16
        si = src_v[pl.ds(gb, 16)] * 4
        di = dst_v[pl.ds(gb, 16)] * 4
        p0 = plsc.load_gather(pq_v, [si])
        p1 = plsc.load_gather(pq_v, [si + 1])
        q0 = plsc.load_gather(pq_v, [di + 2])
        q1 = plsc.load_gather(pq_v, [di + 3])
        oi = (gb + lane) * 2
        plsc.store_scatter(out_v, [oi], p0 + q0)
        plsc.store_scatter(out_v, [oi + 1], p1 + q1)
        return 0

    lax.fori_loop(0, EPW // 16, _grp, 0)
    pltpu.sync_copy(out_v, out_hbm.at[pl.ds(ebase * 2, EPW * 2)])


def kernel(x, edge_index, edge_attr, W1, We, Wu, Wn, Weo):
    src = edge_index[0]
    dst = edge_index[1]
    pad = E_PAD - E
    srcp = jnp.concatenate([src, jnp.zeros((pad,), jnp.int32)])
    dstp = jnp.concatenate([dst, jnp.full((pad,), N, jnp.int32)])
    ea_pad = jnp.concatenate([edge_attr, jnp.zeros((pad, DE), jnp.float32)])

    h = pl.pallas_call(
        _h_body,
        out_shape=jax.ShapeDtypeStruct((N, D), jnp.float32),
    )(x, W1)

    BE = 3072
    gate = pl.pallas_call(
        _gate_body,
        grid=(E_PAD // BE,),
        in_specs=[
            pl.BlockSpec((BE, DE), lambda i: (i, 0)),
            pl.BlockSpec((DE, D), lambda i: (0, 0)),
        ],
        out_specs=pl.BlockSpec((BE, D), lambda i: (i, 0)),
        out_shape=jax.ShapeDtypeStruct((E_PAD, D), jnp.float32),
    )(ea_pad, We)

    partials = _agg_kernel(h, gate, srcp, dstp)

    W4 = jnp.concatenate([Weo[:D], Weo[D:]], axis=1)
    node_pred, pq = pl.pallas_call(
        _heads_body,
        out_shape=(
            jax.ShapeDtypeStruct((N, 2), jnp.float32),
            jax.ShapeDtypeStruct((N, 4), jnp.float32),
        ),
    )(h, partials, Wu, Wn, W4)

    edge_pred = _edge_kernel(pq.reshape(-1), src, dst)
    return node_pred, edge_pred.reshape(E, 2)

# --- scband reference (transcript-rebuilt; emitter-appended) ---
"""Pipeline reference for scband-chain-dbscangnn-16252156248394 (READ-ONLY COPY).

The authoritative reference and input builder live on the scoring server;
editing this copy changes nothing except your own understanding.
"""

import jax, jax.numpy as jnp
import numpy as np

N_NODES = 10000
N_EDGES = 320000
D_FEAT = 128
D_EDGE = 16

def setup_inputs(seed: int = 0):
    key = jax.random.key(seed)
    ks = jax.random.split(key, 8)
    x = jax.random.normal(ks[0], (N_NODES, D_FEAT), dtype=jnp.float32)
    edge_index = jax.random.randint(ks[1], (2, N_EDGES), 0, N_NODES, dtype=jnp.int32)
    edge_attr = jax.random.normal(ks[2], (N_EDGES, D_EDGE), dtype=jnp.float32)
    W1 = jax.random.normal(ks[3], (D_FEAT, D_FEAT), dtype=jnp.float32) / jnp.sqrt(D_FEAT)
    We = jax.random.normal(ks[4], (D_EDGE, D_FEAT), dtype=jnp.float32) / jnp.sqrt(D_EDGE)
    Wu = jax.random.normal(ks[5], (D_FEAT, D_FEAT), dtype=jnp.float32) / jnp.sqrt(D_FEAT)
    Wn = jax.random.normal(ks[6], (D_FEAT, 2), dtype=jnp.float32) / jnp.sqrt(D_FEAT)
    Weo = jax.random.normal(ks[7], (2 * D_FEAT, 2), dtype=jnp.float32) / jnp.sqrt(2 * D_FEAT)
    return {"x": x, "edge_index": edge_index, "edge_attr": edge_attr, "W1": W1, "We": We, "Wu": Wu, "Wn": Wn, "Weo": Weo}

def reference(x, edge_index, edge_attr, W1, We, Wu, Wn, Weo):
    # GNN message-passing core of ChainDBSCANGNN: node encoding, edge-gated
    # message passing over shower-fragment graph, then node_predictor (primary
    # classification) and edge_predictor (grouping) heads.
    h = jax.nn.relu(x @ W1)
    src = edge_index[0]
    dst = edge_index[1]
    gate = jax.nn.sigmoid(edge_attr @ We)          # edge encoder -> attention gate
    msg = h[src] * gate                             # gather src node feats (memory-bound)
    agg = jax.ops.segment_sum(msg, dst, num_segments=h.shape[0])  # scatter-add to dst
    h2 = jax.nn.relu(h + agg @ Wu)
    node_pred = h2 @ Wn                             # node_predictor head [N, 2]
    ef = jnp.concatenate([h2[src], h2[dst]], axis=1)  # bipartite edge features (gathers)
    edge_pred = ef @ Weo                            # edge_predictor head [E, 2]
    return node_pred, edge_pred

if __name__ == "__main__":
    import jax
    _d = setup_inputs()
    print(jax.jit(kernel)(*tuple(_d.values())))

</pallas_src>

<mosaic_0001>
#map = affine_map<(d0, d1) -> (0)>
module attributes {stable_mosaic.version = 14 : i64} {
  func.func @_edge_kernel(%arg0: i32, %arg1: i32, %arg2: memref<40000xf32, #tpu.memory_space<hbm>>, %arg3: memref<320000xi32, #tpu.memory_space<hbm>>, %arg4: memref<320000xi32, #tpu.memory_space<hbm>>, %arg5: memref<640000xf32, #tpu.memory_space<hbm>>, %arg6: memref<40000xf32, #tpu.memory_space<vmem>>, %arg7: memref<10000xi32, #tpu.memory_space<vmem>>, %arg8: memref<10000xi32, #tpu.memory_space<vmem>>, %arg9: memref<20000xf32, #tpu.memory_space<vmem>>, %arg10: memref<!tpu.dma_semaphore, #tpu.memory_space<semaphore_mem>>) attributes {dimension_semantics = [#tpu.dimension_semantics<core_parallel>, #tpu.dimension_semantics<subcore_parallel>], iteration_bounds = array<i64: 2, 16>, scalar_prefetch = 0 : i64, scratch_operands = 5 : i64, tpu.core_type = #tpu.core_type<sc_vector_subcore>, window_params = [{transform_indices = #map}, {transform_indices = #map}, {transform_indices = #map}, {transform_indices = #map}]} {
    %mul3A = arith.constant 16 : i32
    %mul3A_0 = arith.muli %arg0, %mul3A : i32
    %add3A = arith.addi %mul3A_0, %arg1 : i32
    %mul3A_1 = arith.constant 10000 : i32
    %mul3A_2 = arith.muli %add3A, %mul3A_1 : i32
    tpu.enqueue_dma source(%arg2 : memref<40000xf32, #tpu.memory_space<hbm>>) target(%arg6 : memref<40000xf32, #tpu.memory_space<vmem>>) target_semaphore(%arg10 : memref<!tpu.dma_semaphore, #tpu.memory_space<semaphore_mem>>)
    %dma_start3A = tpu.memref_slice %arg3[%mul3A_2] : memref<320000xi32, #tpu.memory_space<hbm>> -> memref<10000xi32, #tpu.memory_space<hbm>>
    %dma_start3A_3 = tpu.memref_slice %arg3[%mul3A_2] : memref<320000xi32, #tpu.memory_space<hbm>> -> memref<10000xi32, #tpu.memory_space<hbm>>
    tpu.enqueue_dma source(%dma_start3A_3 : memref<10000xi32, #tpu.memory_space<hbm>>) target(%arg7 : memref<10000xi32, #tpu.memory_space<vmem>>) target_semaphore(%arg10 : memref<!tpu.dma_semaphore, #tpu.memory_space<semaphore_mem>>)
    %dma_start3A_4 = tpu.memref_slice %arg4[%mul3A_2] : memref<320000xi32, #tpu.memory_space<hbm>> -> memref<10000xi32, #tpu.memory_space<hbm>>
    %dma_start3A_5 = tpu.memref_slice %arg4[%mul3A_2] : memref<320000xi32, #tpu.memory_space<hbm>> -> memref<10000xi32, #tpu.memory_space<hbm>>
    tpu.enqueue_dma source(%dma_start3A_5 : memref<10000xi32, #tpu.memory_space<hbm>>) target(%arg8 : memref<10000xi32, #tpu.memory_space<vmem>>) target_semaphore(%arg10 : memref<!tpu.dma_semaphore, #tpu.memory_space<semaphore_mem>>)
    tpu.wait_dma2 semaphore(%arg10 : memref<!tpu.dma_semaphore, #tpu.memory_space<semaphore_mem>>) src(%arg2 : memref<40000xf32, #tpu.memory_space<hbm>>) dst(%arg6 : memref<40000xf32, #tpu.memory_space<vmem>>)
    %dma_wait3A = tpu.memref_slice %arg3[%mul3A_2] : memref<320000xi32, #tpu.memory_space<hbm>> -> memref<10000xi32, #tpu.memory_space<hbm>>
    %dma_wait3A_6 = tpu.memref_slice %arg3[%mul3A_2] : memref<320000xi32, #tpu.memory_space<hbm>> -> memref<10000xi32, #tpu.memory_space<hbm>>
    tpu.wait_dma2 semaphore(%arg10 : memref<!tpu.dma_semaphore, #tpu.memory_space<semaphore_mem>>) src(%dma_wait3A_6 : memref<10000xi32, #tpu.memory_space<hbm>>) dst(%arg7 : memref<10000xi32, #tpu.memory_space<vmem>>)
    %dma_wait3A_7 = tpu.memref_slice %arg4[%mul3A_2] : memref<320000xi32, #tpu.memory_space<hbm>> -> memref<10000xi32, #tpu.memory_space<hbm>>
    %dma_wait3A_8 = tpu.memref_slice %arg4[%mul3A_2] : memref<320000xi32, #tpu.memory_space<hbm>> -> memref<10000xi32, #tpu.memory_space<hbm>>
    tpu.wait_dma2 semaphore(%arg10 : memref<!tpu.dma_semaphore, #tpu.memory_space<semaphore_mem>>) src(%dma_wait3A_8 : memref<10000xi32, #tpu.memory_space<hbm>>) dst(%arg8 : memref<10000xi32, #tpu.memory_space<vmem>>)
    %iota3A = tpu.iota {dimensions = array<i32: 0>} : vector<16xi32>
    %scan3A = arith.constant 0 : i32
    %scan3A_9 = arith.constant 0 : i32
    %scan3A_10 = arith.constant 625 : i32
    %scan3A_11 = arith.addi %scan3A_9, %scan3A_10 : i32
    %scan3A_12 = arith.constant 1 : i32
    %scan3A_13 = scf.for %scan3A_17 = %scan3A_9 to %scan3A_11 step %scan3A_12 iter_args(%scan3A_18 = %scan3A) -> (i32)  : i32 {
      %mul3A_19 = arith.constant 16 : i32
      %mul3A_20 = arith.muli %scan3A_17, %mul3A_19 : i32
      %get3A = arith.index_cast %mul3A_20 : i32 to index
      %get3A_21 = tpu.vector_load %arg7[%get3A] {strides = array<i32>} : memref<10000xi32, #tpu.memory_space<vmem>>, vector<16xi32>,
      %mul3A_22 = arith.constant 4 : i32
      %mul3A_23 = vector.broadcast %mul3A_22 : i32 to vector<16xi32>
      %mul3A_24 = arith.muli %get3A_21, %mul3A_23 : vector<16xi32>
      %get3A_25 = arith.index_cast %mul3A_20 : i32 to index
      %get3A_26 = tpu.vector_load %arg8[%get3A_25] {strides = array<i32>} : memref<10000xi32, #tpu.memory_space<vmem>>, vector<16xi32>,
      %mul3A_27 = arith.constant 4 : i32
      %mul3A_28 = vector.broadcast %mul3A_27 : i32 to vector<16xi32>
      %mul3A_29 = arith.muli %get3A_26, %mul3A_28 : vector<16xi32>
      %gather3A = tpu.vector_load_idx %arg6[%mul3A_24] : memref<40000xf32, #tpu.memory_space<vmem>>[vector<16xi32>], vector<16xf32>,
      %add3A_30 = arith.constant 1 : i32
      %add3A_31 = vector.broadcast %add3A_30 : i32 to vector<16xi32>
      %add3A_32 = arith.addi %mul3A_24, %add3A_31 : vector<16xi32>
      %gather3A_33 = tpu.vector_load_idx %arg6[%add3A_32] : memref<40000xf32, #tpu.memory_space<vmem>>[vector<16xi32>], vector<16xf32>,
      %add3A_34 = arith.constant 2 : i32
      %add3A_35 = vector.broadcast %add3A_34 : i32 to vector<16xi32>
      %add3A_36 = arith.addi %mul3A_29, %add3A_35 : vector<16xi32>
      %gather3A_37 = tpu.vector_load_idx %arg6[%add3A_36] : memref<40000xf32, #tpu.memory_space<vmem>>[vector<16xi32>], vector<16xf32>,
      %add3A_38 = arith.constant 3 : i32
      %add3A_39 = vector.broadcast %add3A_38 : i32 to vector<16xi32>
      %add3A_40 = arith.addi %mul3A_29, %add3A_39 : vector<16xi32>
      %gather3A_41 = tpu.vector_load_idx %arg6[%add3A_40] : memref<40000xf32, #tpu.memory_space<vmem>>[vector<16xi32>], vector<16xf32>,
      %add3A_42 = vector.broadcast %mul3A_20 : i32 to vector<16xi32>
      %add3A_43 = arith.addi %add3A_42, %iota3A : vector<16xi32>
      %mul3A_44 = arith.constant 2 : i32
      %mul3A_45 = vector.broadcast %mul3A_44 : i32 to vector<16xi32>
      %mul3A_46 = arith.muli %add3A_43, %mul3A_45 : vector<16xi32>
      %add3A_47 = arith.addf %gather3A, %gather3A_37 : vector<16xf32>
      tpu.vector_store_idx %arg9[%mul3A_46], %add3A_47 : memref<20000xf32, #tpu.memory_space<vmem>>[vector<16xi32>], vector<16xf32>,
      %add3A_48 = arith.constant 1 : i32
      %add3A_49 = vector.broadcast %add3A_48 : i32 to vector<16xi32>
      %add3A_50 = arith.addi %mul3A_46, %add3A_49 : vector<16xi32>
      %add3A_51 = arith.addf %gather3A_33, %gather3A_41 : vector<16xf32>
      tpu.vector_store_idx %arg9[%add3A_50], %add3A_51 : memref<20000xf32, #tpu.memory_space<vmem>>[vector<16xi32>], vector<16xf32>,
      %scan3A_52 = arith.constant 0 : i32
      scf.yield %scan3A_52 : i32
    }
    %scan3A_14 = arith.constant 625 : i32
    %mul3A_15 = arith.constant 2 : i32
    %mul3A_16 = arith.muli %mul3A_2, %mul3A_15 : i32
    "tpu.region"() ({
      %run_scoped3A = tpu.sem_alloc : memref<!tpu.dma_semaphore, #tpu.memory_space<semaphore_mem>>
      %dma_start3A_17 = tpu.memref_slice %arg5[%mul3A_16] : memref<640000xf32, #tpu.memory_space<hbm>> -> memref<20000xf32, #tpu.memory_space<hbm>>
      %dma_start3A_18 = tpu.memref_slice %arg5[%mul3A_16] : memref<640000xf32, #tpu.memory_space<hbm>> -> memref<20000xf32, #tpu.memory_space<hbm>>
      tpu.enqueue_dma source(%arg9 : memref<20000xf32, #tpu.memory_space<vmem>>) target(%dma_start3A_18 : memref<20000xf32, #tpu.memory_space<hbm>>) target_semaphore(%run_scoped3A : memref<!tpu.dma_semaphore, #tpu.memory_space<semaphore_mem>>)
      %dma_wait3A_19 = tpu.memref_slice %arg5[%mul3A_16] : memref<640000xf32, #tpu.memory_space<hbm>> -> memref<20000xf32, #tpu.memory_space<hbm>>
      %dma_wait3A_20 = tpu.memref_slice %arg5[%mul3A_16] : memref<640000xf32, #tpu.memory_space<hbm>> -> memref<20000xf32, #tpu.memory_space<hbm>>
      tpu.wait_dma2 semaphore(%run_scoped3A : memref<!tpu.dma_semaphore, #tpu.memory_space<semaphore_mem>>) src(%arg9 : memref<20000xf32, #tpu.memory_space<vmem>>) dst(%dma_wait3A_20 : memref<20000xf32, #tpu.memory_space<hbm>>)
      tpu.yield
    }) : () -> ()
    return
  }
}

#map = affine_map<(d0, d1) -> (0, 0)>
#map1 = affine_map<(d0, d1) -> (0)>
#map2 = affine_map<(d0, d1) -> (0, 0, 0)>
module attributes {stable_mosaic.version = 14 : i64} {
  func.func @_agg_kernel(%arg0: i32, %arg1: i32, %arg2: memref<10000x128xf32, #tpu.memory_space<hbm>>, %arg3: memref<325632x128xf32, #tpu.memory_space<hbm>>, %arg4: memref<325632xi32, #tpu.memory_space<hbm>>, %arg5: memref<325632xi32, #tpu.memory_space<hbm>>, %arg6: memref<2x10112x128xf32, #tpu.memory_space<hbm>>, %arg7: memref<96x128xf32, #tpu.memory_space<vmem>>, %arg8: memref<96x128xf32, #tpu.memory_space<vmem>>, %arg9: memref<96x128xf32, #tpu.memory_space<vmem>>, %arg10: memref<96x128xf32, #tpu.memory_space<vmem>>, %arg11: memref<96xi32, #tpu.memory_space<vmem>>, %arg12: memref<96xi32, #tpu.memory_space<vmem>>, %arg13: memref<96xi32, #tpu.memory_space<vmem>>, %arg14: memref<96xi32, #tpu.memory_space<vmem>>, %arg15: memref<96xi32, #tpu.memory_space<vmem>>, %arg16: memref<96xi32, #tpu.memory_space<vmem>>, %arg17: memref<10112x128xf32, #tpu.memory_space<vmem_shared>>, %arg18: memref<!tpu.dma_semaphore, #tpu.memory_space<semaphore_mem>>, %arg19: memref<!tpu.dma_semaphore, #tpu.memory_space<semaphore_mem>>, %arg20: memref<!tpu.dma_semaphore, #tpu.memory_space<semaphore_mem>>, %arg21: memref<!tpu.dma_semaphore, #tpu.memory_space<semaphore_mem>>, %arg22: memref<!tpu.dma_semaphore, #tpu.memory_space<semaphore_mem>>, %arg23: memref<!tpu.dma_semaphore, #tpu.memory_space<semaphore_mem>>, %arg24: memref<!tpu.dma_semaphore, #tpu.memory_space<semaphore_mem>>, %arg25: memref<!tpu.dma_semaphore, #tpu.memory_space<semaphore_mem>>, %arg26: memref<!tpu.dma_semaphore, #tpu.memory_space<semaphore_mem>>) attributes {dimension_semantics = [#tpu.dimension_semantics<core_parallel>, #tpu.dimension_semantics<subcore_parallel>], iteration_bounds = array<i64: 2, 16>, scalar_prefetch = 0 : i64, scratch_operands = 20 : i64, tpu.core_type = #tpu.core_type<sc_vector_subcore>, window_params = [{transform_indices = #map}, {transform_indices = #map}, {transform_indices = #map1}, {transform_indices = #map1}, {transform_indices = #map2}]} {
    %mul3A = arith.constant 16 : i32
    %mul3A_0 = arith.muli %arg0, %mul3A : i32
    %add3A = arith.addi %mul3A_0, %arg1 : i32
    %mul3A_1 = arith.constant 106 : i32
    %mul3A_2 = arith.muli %add3A, %mul3A_1 : i32
    %add3A_3 = arith.constant 0 : i32
    %add3A_4 = arith.addi %mul3A_2, %add3A_3 : i32
    %mul3A_5 = arith.constant 96 : i32
    %mul3A_6 = arith.muli %add3A_4, %mul3A_5 : i32
    %dma_start3A = tpu.memref_slice %arg4[%mul3A_6] : memref<325632xi32, #tpu.memory_space<hbm>> -> memref<96xi32, #tpu.memory_space<hbm>>
    %dma_start3A_7 = tpu.memref_slice %arg4[%mul3A_6] : memref<325632xi32, #tpu.memory_space<hbm>> -> memref<96xi32, #tpu.memory_space<hbm>>
    tpu.enqueue_dma source(%dma_start3A_7 : memref<96xi32, #tpu.memory_space<hbm>>) target(%arg11 : memref<96xi32, #tpu.memory_space<vmem>>) target_semaphore(%arg24 : memref<!tpu.dma_semaphore, #tpu.memory_space<semaphore_mem>>)
    %add3A_8 = arith.constant 0 : i32
    %add3A_9 = arith.addi %mul3A_2, %add3A_8 : i32
    %mul3A_10 = arith.constant 96 : i32
    %mul3A_11 = arith.muli %add3A_9, %mul3A_10 : i32
    %dma_start3A_12 = tpu.memref_slice %arg5[%mul3A_11] : memref<325632xi32, #tpu.memory_space<hbm>> -> memref<96xi32, #tpu.memory_space<hbm>>
    %dma_start3A_13 = tpu.memref_slice %arg5[%mul3A_11] : memref<325632xi32, #tpu.memory_space<hbm>> -> memref<96xi32, #tpu.memory_space<hbm>>
    tpu.enqueue_dma source(%dma_start3A_13 : memref<96xi32, #tpu.memory_space<hbm>>) target(%arg13 : memref<96xi32, #tpu.memory_space<vmem>>) target_semaphore(%arg24 : memref<!tpu.dma_semaphore, #tpu.memory_space<semaphore_mem>>)
    %add3A_14 = arith.constant 1 : i32
    %add3A_15 = arith.addi %mul3A_2, %add3A_14 : i32
    %mul3A_16 = arith.constant 96 : i32
    %mul3A_17 = arith.muli %add3A_15, %mul3A_16 : i32
    %dma_start3A_18 = tpu.memref_slice %arg4[%mul3A_17] : memref<325632xi32, #tpu.memory_space<hbm>> -> memref<96xi32, #tpu.memory_space<hbm>>
    %dma_start3A_19 = tpu.memref_slice %arg4[%mul3A_17] : memref<325632xi32, #tpu.memory_space<hbm>> -> memref<96xi32, #tpu.memory_space<hbm>>
    tpu.enqueue_dma source(%dma_start3A_19 : memref<96xi32, #tpu.memory_space<hbm>>) target(%arg12 : memref<96xi32, #tpu.memory_space<vmem>>) target_semaphore(%arg25 : memref<!tpu.dma_semaphore, #tpu.memory_space<semaphore_mem>>)
    %add3A_20 = arith.constant 1 : i32
    %add3A_21 = arith.addi %mul3A_2, %add3A_20 : i32
    %mul3A_22 = arith.constant 96 : i32
    %mul3A_23 = arith.muli %add3A_21, %mul3A_22 : i32
    %dma_start3A_24 = tpu.memref_slice %arg5[%mul3A_23] : memref<325632xi32, #tpu.memory_space<hbm>> -> memref<96xi32, #tpu.memory_space<hbm>>
    %dma_start3A_25 = tpu.memref_slice %arg5[%mul3A_23] : memref<325632xi32, #tpu.memory_space<hbm>> -> memref<96xi32, #tpu.memory_space<hbm>>
    tpu.enqueue_dma source(%dma_start3A_25 : memref<96xi32, #tpu.memory_space<hbm>>) target(%arg14 : memref<96xi32, #tpu.memory_space<vmem>>) target_semaphore(%arg25 : memref<!tpu.dma_semaphore, #tpu.memory_space<semaphore_mem>>)
    %broadcast_in_dim3A = arith.constant 0.000000e+00 : f32
    %broadcast_in_dim3A_26 = vector.broadcast %broadcast_in_dim3A : f32 to vector<16xf32>
    %scan3A = arith.constant 0 : i32
    %scan3A_27 = arith.constant 0 : i32
    %scan3A_28 = arith.constant 96 : i32
    %scan3A_29 = arith.addi %scan3A_27, %scan3A_28 : i32
    %scan3A_30 = arith.constant 1 : i32
    %scan3A_31 = scf.for %scan3A_155 = %scan3A_27 to %scan3A_29 step %scan3A_30 iter_args(%scan3A_156 = %scan3A) -> (i32)  : i32 {
      %swap3A = arith.index_cast %scan3A_155 : i32 to index
      %swap3A_157 = arith.constant 0 : index
      %swap3A_158 = tpu.vector_load %arg7[%swap3A, %swap3A_157] {strides = array<i32>} : memref<96x128xf32, #tpu.memory_space<vmem>>, vector<1x16xf32>,
      %swap3A_159 = vector.shape_cast %swap3A_158 : vector<1x16xf32> to vector<16xf32>
      %swap3A_160 = vector.shape_cast %broadcast_in_dim3A_26 : vector<16xf32> to vector<1x16xf32>
      tpu.vector_store %arg7[%swap3A, %swap3A_157], %swap3A_160 {strides = array<i32>} : memref<96x128xf32, #tpu.memory_space<vmem>>, vector<1x16xf32>,
      %swap3A_161 = arith.index_cast %scan3A_155 : i32 to index
      %swap3A_162 = arith.constant 16 : index
      %swap3A_163 = tpu.vector_load %arg7[%swap3A_161, %swap3A_162] {strides = array<i32>} : memref<96x128xf32, #tpu.memory_space<vmem>>, vector<1x16xf32>,
      %swap3A_164 = vector.shape_cast %swap3A_163 : vector<1x16xf32> to vector<16xf32>
      %swap3A_165 = vector.shape_cast %broadcast_in_dim3A_26 : vector<16xf32> to vector<1x16xf32>
      tpu.vector_store %arg7[%swap3A_161, %swap3A_162], %swap3A_165 {strides = array<i32>} : memref<96x128xf32, #tpu.memory_space<vmem>>, vector<1x16xf32>,
      %swap3A_166 = arith.index_cast %scan3A_155 : i32 to index
      %swap3A_167 = arith.constant 32 : index
      %swap3A_168 = tpu.vector_load %arg7[%swap3A_166, %swap3A_167] {strides = array<i32>} : memref<96x128xf32, #tpu.memory_space<vmem>>, vector<1x16xf32>,
      %swap3A_169 = vector.shape_cast %swap3A_168 : vector<1x16xf32> to vector<16xf32>
      %swap3A_170 = vector.shape_cast %broadcast_in_dim3A_26 : vector<16xf32> to vector<1x16xf32>
      tpu.vector_store %arg7[%swap3A_166, %swap3A_167], %swap3A_170 {strides = array<i32>} : memref<96x128xf32, #tpu.memory_space<vmem>>, vector<1x16xf32>,
      %swap3A_171 = arith.index_cast %scan3A_155 : i32 to index
      %swap3A_172 = arith.constant 48 : index
      %swap3A_173 = tpu.vector_load %arg7[%swap3A_171, %swap3A_172] {strides = array<i32>} : memref<96x128xf32, #tpu.memory_space<vmem>>, vector<1x16xf32>,
      %swap3A_174 = vector.shape_cast %swap3A_173 : vector<1x16xf32> to vector<16xf32>
      %swap3A_175 = vector.shape_cast %broadcast_in_dim3A_26 : vector<16xf32> to vector<1x16xf32>
      tpu.vector_store %arg7[%swap3A_171, %swap3A_172], %swap3A_175 {strides = array<i32>} : memref<96x128xf32, #tpu.memory_space<vmem>>, vector<1x16xf32>,
      %swap3A_176 = arith.index_cast %scan3A_155 : i32 to index
      %swap3A_177 = arith.constant 64 : index
      %swap3A_178 = tpu.vector_load %arg7[%swap3A_176, %swap3A_177] {strides = array<i32>} : memref<96x128xf32, #tpu.memory_space<vmem>>, vector<1x16xf32>,
      %swap3A_179 = vector.shape_cast %swap3A_178 : vector<1x16xf32> to vector<16xf32>
      %swap3A_180 = vector.shape_cast %broadcast_in_dim3A_26 : vector<16xf32> to vector<1x16xf32>
      tpu.vector_store %arg7[%swap3A_176, %swap3A_177], %swap3A_180 {strides = array<i32>} : memref<96x128xf32, #tpu.memory_space<vmem>>, vector<1x16xf32>,
      %swap3A_181 = arith.index_cast %scan3A_155 : i32 to index
      %swap3A_182 = arith.constant 80 : index
      %swap3A_183 = tpu.vector_load %arg7[%swap3A_181, %swap3A_182] {strides = array<i32>} : memref<96x128xf32, #tpu.memory_space<vmem>>, vector<1x16xf32>,
      %swap3A_184 = vector.shape_cast %swap3A_183 : vector<1x16xf32> to vector<16xf32>
      %swap3A_185 = vector.shape_cast %broadcast_in_dim3A_26 : vector<16xf32> to vector<1x16xf32>
      tpu.vector_store %arg7[%swap3A_181, %swap3A_182], %swap3A_185 {strides = array<i32>} : memref<96x128xf32, #tpu.memory_space<vmem>>, vector<1x16xf32>,
      %swap3A_186 = arith.index_cast %scan3A_155 : i32 to index
      %swap3A_187 = arith.constant 96 : index
      %swap3A_188 = tpu.vector_load %arg7[%swap3A_186, %swap3A_187] {strides = array<i32>} : memref<96x128xf32, #tpu.memory_space<vmem>>, vector<1x16xf32>,
      %swap3A_189 = vector.shape_cast %swap3A_188 : vector<1x16xf32> to vector<16xf32>
      %swap3A_190 = vector.shape_cast %broadcast_in_dim3A_26 : vector<16xf32> to vector<1x16xf32>
      tpu.vector_store %arg7[%swap3A_186, %swap3A_187], %swap3A_190 {strides = array<i32>} : memref<96x128xf32, #tpu.memory_space<vmem>>, vector<1x16xf32>,
      %swap3A_191 = arith.index_cast %scan3A_155 : i32 to index
      %swap3A_192 = arith.constant 112 : index
      %swap3A_193 = tpu.vector_load %arg7[%swap3A_191, %swap3A_192] {strides = array<i32>} : memref<96x128xf32, #tpu.memory_space<vmem>>, vector<1x16xf32>,
      %swap3A_194 = vector.shape_cast %swap3A_193 : vector<1x16xf32> to vector<16xf32>
      %swap3A_195 = vector.shape_cast %broadcast_in_dim3A_26 : vector<16xf32> to vector<1x16xf32>
      tpu.vector_store %arg7[%swap3A_191, %swap3A_192], %swap3A_195 {strides = array<i32>} : memref<96x128xf32, #tpu.memory_space<vmem>>, vector<1x16xf32>,
      %scan3A_196 = arith.constant 0 : i32
      scf.yield %scan3A_196 : i32
    }
    %scan3A_32 = arith.constant 96 : i32
    %mul3A_33 = arith.constant 632 : i32
    %mul3A_34 = arith.muli %arg1, %mul3A_33 : i32
    %add3A_35 = arith.constant 0 : i32
    %add3A_36 = arith.addi %mul3A_34, %add3A_35 : i32
    %add3A_37 = arith.constant 96 : i32
    %add3A_38 = arith.addi %mul3A_34, %add3A_37 : i32
    %add3A_39 = arith.constant 192 : i32
    %add3A_40 = arith.addi %mul3A_34, %add3A_39 : i32
    %add3A_41 = arith.constant 288 : i32
    %add3A_42 = arith.addi %mul3A_34, %add3A_41 : i32
    %add3A_43 = arith.constant 384 : i32
    %add3A_44 = arith.addi %mul3A_34, %add3A_43 : i32
    %add3A_45 = arith.constant 480 : i32
    %add3A_46 = arith.addi %mul3A_34, %add3A_45 : i32
    %add3A_47 = arith.constant 576 : i32
    %add3A_48 = arith.addi %mul3A_34, %add3A_47 : i32
    %dma_start3A_49 = arith.constant 0 : i32
    %dma_start3A_50 = tpu.memref_slice %arg17[%add3A_36, %dma_start3A_49] : memref<10112x128xf32, #tpu.memory_space<vmem_shared>> -> memref<96x128xf32, #tpu.memory_space<vmem_shared>>
    %dma_start3A_51 = arith.constant 0 : i32
    %dma_start3A_52 = tpu.memref_slice %arg17[%add3A_36, %dma_start3A_51] : memref<10112x128xf32, #tpu.memory_space<vmem_shared>> -> memref<96x128xf32, #tpu.memory_space<vmem_shared>>
    tpu.enqueue_dma source(%arg7 : memref<96x128xf32, #tpu.memory_space<vmem>>) target(%dma_start3A_52 : memref<96x128xf32, #tpu.memory_space<vmem_shared>>) target_semaphore(%arg26 : memref<!tpu.dma_semaphore, #tpu.memory_space<semaphore_mem>>)
    %dma_start3A_53 = arith.constant 0 : i32
    %dma_start3A_54 = tpu.memref_slice %arg17[%add3A_38, %dma_start3A_53] : memref<10112x128xf32, #tpu.memory_space<vmem_shared>> -> memref<96x128xf32, #tpu.memory_space<vmem_shared>>
    %dma_start3A_55 = arith.constant 0 : i32
    %dma_start3A_56 = tpu.memref_slice %arg17[%add3A_38, %dma_start3A_55] : memref<10112x128xf32, #tpu.memory_space<vmem_shared>> -> memref<96x128xf32, #tpu.memory_space<vmem_shared>>
    tpu.enqueue_dma source(%arg7 : memref<96x128xf32, #tpu.memory_space<vmem>>) target(%dma_start3A_56 : memref<96x128xf32, #tpu.memory_space<vmem_shared>>) target_semaphore(%arg26 : memref<!tpu.dma_semaphore, #tpu.memory_space<semaphore_mem>>)
    %dma_start3A_57 = arith.constant 0 : i32
    %dma_start3A_58 = tpu.memref_slice %arg17[%add3A_40, %dma_start3A_57] : memref<10112x128xf32, #tpu.memory_space<vmem_shared>> -> memref<96x128xf32, #tpu.memory_space<vmem_shared>>
    %dma_start3A_59 = arith.constant 0 : i32
    %dma_start3A_60 = tpu.memref_slice %arg17[%add3A_40, %dma_start3A_59] : memref<10112x128xf32, #tpu.memory_space<vmem_shared>> -> memref<96x128xf32, #tpu.memory_space<vmem_shared>>
    tpu.enqueue_dma source(%arg7 : memref<96x128xf32, #tpu.memory_space<vmem>>) target(%dma_start3A_60 : memref<96x128xf32, #tpu.memory_space<vmem_shared>>) target_semaphore(%arg26 : memref<!tpu.dma_semaphore, #tpu.memory_space<semaphore_mem>>)
    %dma_start3A_61 = arith.constant 0 : i32
    %dma_start3A_62 = tpu.memref_slice %arg17[%add3A_42, %dma_start3A_61] : memref<10112x128xf32, #tpu.memory_space<vmem_shared>> -> memref<96x128xf32, #tpu.memory_space<vmem_shared>>
    %dma_start3A_63 = arith.constant 0 : i32
    %dma_start3A_64 = tpu.memref_slice %arg17[%add3A_42, %dma_start3A_63] : memref<10112x128xf32, #tpu.memory_space<vmem_shared>> -> memref<96x128xf32, #tpu.memory_space<vmem_shared>>
    tpu.enqueue_dma source(%arg7 : memref<96x128xf32, #tpu.memory_space<vmem>>) target(%dma_start3A_64 : memref<96x128xf32, #tpu.memory_space<vmem_shared>>) target_semaphore(%arg26 : memref<!tpu.dma_semaphore, #tpu.memory_space<semaphore_mem>>)
    %dma_start3A_65 = arith.constant 0 : i32
    %dma_start3A_66 = tpu.memref_slice %arg17[%add3A_44, %dma_start3A_65] : memref<10112x128xf32, #tpu.memory_space<vmem_shared>> -> memref<96x128xf32, #tpu.memory_space<vmem_shared>>
    %dma_start3A_67 = arith.constant 0 : i32
    %dma_start3A_68 = tpu.memref_slice %arg17[%add3A_44, %dma_start3A_67] : memref<10112x128xf32, #tpu.memory_space<vmem_shared>> -> memref<96x128xf32, #tpu.memory_space<vmem_shared>>
    tpu.enqueue_dma source(%arg7 : memref<96x128xf32, #tpu.memory_space<vmem>>) target(%dma_start3A_68 : memref<96x128xf32, #tpu.memory_space<vmem_shared>>) target_semaphore(%arg26 : memref<!tpu.dma_semaphore, #tpu.memory_space<semaphore_mem>>)
    %dma_start3A_69 = arith.constant 0 : i32
    %dma_start3A_70 = tpu.memref_slice %arg17[%add3A_46, %dma_start3A_69] : memref<10112x128xf32, #tpu.memory_space<vmem_shared>> -> memref<96x128xf32, #tpu.memory_space<vmem_shared>>
    %dma_start3A_71 = arith.constant 0 : i32
    %dma_start3A_72 = tpu.memref_slice %arg17[%add3A_46, %dma_start3A_71] : memref<10112x128xf32, #tpu.memory_space<vmem_shared>> -> memref<96x128xf32, #tpu.memory_space<vmem_shared>>
    tpu.enqueue_dma source(%arg7 : memref<96x128xf32, #tpu.memory_space<vmem>>) target(%dma_start3A_72 : memref<96x128xf32, #tpu.memory_space<vmem_shared>>) target_semaphore(%arg26 : memref<!tpu.dma_semaphore, #tpu.memory_space<semaphore_mem>>)
    %dma_start3A_73 = arith.constant 0 : i32
    %dma_start3A_74 = arith.constant 0 : i32
    %dma_start3A_75 = tpu.memref_slice %arg7[%dma_start3A_73, %dma_start3A_74] : memref<96x128xf32, #tpu.memory_space<vmem>> -> memref<56x128xf32, #tpu.memory_space<vmem>>
    %dma_start3A_76 = arith.constant 0 : i32
    %dma_start3A_77 = tpu.memref_slice %arg17[%add3A_48, %dma_start3A_76] : memref<10112x128xf32, #tpu.memory_space<vmem_shared>> -> memref<56x128xf32, #tpu.memory_space<vmem_shared>>
    %dma_start3A_78 = arith.constant 0 : i32
    %dma_start3A_79 = tpu.memref_slice %arg17[%add3A_48, %dma_start3A_78] : memref<10112x128xf32, #tpu.memory_space<vmem_shared>> -> memref<56x128xf32, #tpu.memory_space<vmem_shared>>
    %dma_start3A_80 = arith.constant 0 : i32
    %dma_start3A_81 = arith.constant 0 : i32
    %dma_start3A_82 = tpu.memref_slice %arg7[%dma_start3A_80, %dma_start3A_81] : memref<96x128xf32, #tpu.memory_space<vmem>> -> memref<56x128xf32, #tpu.memory_space<vmem>>
    tpu.enqueue_dma source(%dma_start3A_82 : memref<56x128xf32, #tpu.memory_space<vmem>>) target(%dma_start3A_79 : memref<56x128xf32, #tpu.memory_space<vmem_shared>>) target_semaphore(%arg26 : memref<!tpu.dma_semaphore, #tpu.memory_space<semaphore_mem>>)
    %dma_wait3A = arith.constant 0 : i32
    %dma_wait3A_83 = tpu.memref_slice %arg17[%add3A_36, %dma_wait3A] : memref<10112x128xf32, #tpu.memory_space<vmem_shared>> -> memref<96x128xf32, #tpu.memory_space<vmem_shared>>
    %dma_wait3A_84 = arith.constant 0 : i32
    %dma_wait3A_85 = tpu.memref_slice %arg17[%add3A_36, %dma_wait3A_84] : memref<10112x128xf32, #tpu.memory_space<vmem_shared>> -> memref<96x128xf32, #tpu.memory_space<vmem_shared>>
    tpu.wait_dma2 semaphore(%arg26 : memref<!tpu.dma_semaphore, #tpu.memory_space<semaphore_mem>>) src(%arg7 : memref<96x128xf32, #tpu.memory_space<vmem>>) dst(%dma_wait3A_85 : memref<96x128xf32, #tpu.memory_space<vmem_shared>>)
    %dma_wait3A_86 = arith.constant 0 : i32
    %dma_wait3A_87 = tpu.memref_slice %arg17[%add3A_38, %dma_wait3A_86] : memref<10112x128xf32, #tpu.memory_space<vmem_shared>> -> memref<96x128xf32, #tpu.memory_space<vmem_shared>>
    %dma_wait3A_88 = arith.constant 0 : i32
    %dma_wait3A_89 = tpu.memref_slice %arg17[%add3A_38, %dma_wait3A_88] : memref<10112x128xf32, #tpu.memory_space<vmem_shared>> -> memref<96x128xf32, #tpu.memory_space<vmem_shared>>
    tpu.wait_dma2 semaphore(%arg26 : memref<!tpu.dma_semaphore, #tpu.memory_space<semaphore_mem>>) src(%arg7 : memref<96x128xf32, #tpu.memory_space<vmem>>) dst(%dma_wait3A_89 : memref<96x128xf32, #tpu.memory_space<vmem_shared>>)
    %dma_wait3A_90 = arith.constant 0 : i32
    %dma_wait3A_91 = tpu.memref_slice %arg17[%add3A_40, %dma_wait3A_90] : memref<10112x128xf32, #tpu.memory_space<vmem_shared>> -> memref<96x128xf32, #tpu.memory_space<vmem_shared>>
    %dma_wait3A_92 = arith.constant 0 : i32
    %dma_wait3A_93 = tpu.memref_slice %arg17[%add3A_40, %dma_wait3A_92] : memref<10112x128xf32, #tpu.memory_space<vmem_shared>> -> memref<96x128xf32, #tpu.memory_space<vmem_shared>>
    tpu.wait_dma2 semaphore(%arg26 : memref<!tpu.dma_semaphore, #tpu.memory_space<semaphore_mem>>) src(%arg7 : memref<96x128xf32, #tpu.memory_space<vmem>>) dst(%dma_wait3A_93 : memref<96x128xf32, #tpu.memory_space<vmem_shared>>)
    %dma_wait3A_94 = arith.constant 0 : i32
    %dma_wait3A_95 = tpu.memref_slice %arg17[%add3A_42, %dma_wait3A_94] : memref<10112x128xf32, #tpu.memory_space<vmem_shared>> -> memref<96x128xf32, #tpu.memory_space<vmem_shared>>
    %dma_wait3A_96 = arith.constant 0 : i32
    %dma_wait3A_97 = tpu.memref_slice %arg17[%add3A_42, %dma_wait3A_96] : memref<10112x128xf32, #tpu.memory_space<vmem_shared>> -> memref<96x128xf32, #tpu.memory_space<vmem_shared>>
    tpu.wait_dma2 semaphore(%arg26 : memref<!tpu.dma_semaphore, #tpu.memory_space<semaphore_mem>>) src(%arg7 : memref<96x128xf32, #tpu.memory_space<vmem>>) dst(%dma_wait3A_97 : memref<96x128xf32, #tpu.memory_space<vmem_shared>>)
    %dma_wait3A_98 = arith.constant 0 : i32
    %dma_wait3A_99 = tpu.memref_slice %arg17[%add3A_44, %dma_wait3A_98] : memref<10112x128xf32, #tpu.memory_space<vmem_shared>> -> memref<96x128xf32, #tpu.memory_space<vmem_shared>>
    %dma_wait3A_100 = arith.constant 0 : i32
    %dma_wait3A_101 = tpu.memref_slice %arg17[%add3A_44, %dma_wait3A_100] : memref<10112x128xf32, #tpu.memory_space<vmem_shared>> -> memref<96x128xf32, #tpu.memory_space<vmem_shared>>
    tpu.wait_dma2 semaphore(%arg26 : memref<!tpu.dma_semaphore, #tpu.memory_space<semaphore_mem>>) src(%arg7 : memref<96x128xf32, #tpu.memory_space<vmem>>) dst(%dma_wait3A_101 : memref<96x128xf32, #tpu.memory_space<vmem_shared>>)
    %dma_wait3A_102 = arith.constant 0 : i32
    %dma_wait3A_103 = tpu.memref_slice %arg17[%add3A_46, %dma_wait3A_102] : memref<10112x128xf32, #tpu.memory_space<vmem_shared>> -> memref<96x128xf32, #tpu.memory_space<vmem_shared>>
    %dma_wait3A_104 = arith.constant 0 : i32
    %dma_wait3A_105 = tpu.memref_slice %arg17[%add3A_46, %dma_wait3A_104] : memref<10112x128xf32, #tpu.memory_space<vmem_shared>> -> memref<96x128xf32, #tpu.memory_space<vmem_shared>>
    tpu.wait_dma2 semaphore(%arg26 : memref<!tpu.dma_semaphore, #tpu.memory_space<semaphore_mem>>) src(%arg7 : memref<96x128xf32, #tpu.memory_space<vmem>>) dst(%dma_wait3A_105 : memref<96x128xf32, #tpu.memory_space<vmem_shared>>)
    %dma_wait3A_106 = arith.constant 0 : i32
    %dma_wait3A_107 = arith.constant 0 : i32
    %dma_wait3A_108 = tpu.memref_slice %arg7[%dma_wait3A_106, %dma_wait3A_107] : memref<96x128xf32, #tpu.memory_space<vmem>> -> memref<56x128xf32, #tpu.memory_space<vmem>>
    %dma_wait3A_109 = arith.constant 0 : i32
    %dma_wait3A_110 = tpu.memref_slice %arg17[%add3A_48, %dma_wait3A_109] : memref<10112x128xf32, #tpu.memory_space<vmem_shared>> -> memref<56x128xf32, #tpu.memory_space<vmem_shared>>
    %dma_wait3A_111 = arith.constant 0 : i32
    %dma_wait3A_112 = tpu.memref_slice %arg17[%add3A_48, %dma_wait3A_111] : memref<10112x128xf32, #tpu.memory_space<vmem_shared>> -> memref<56x128xf32, #tpu.memory_space<vmem_shared>>
    %dma_wait3A_113 = arith.constant 0 : i32
    %dma_wait3A_114 = arith.constant 0 : i32
    %dma_wait3A_115 = tpu.memref_slice %arg7[%dma_wait3A_113, %dma_wait3A_114] : memref<96x128xf32, #tpu.memory_space<vmem>> -> memref<56x128xf32, #tpu.memory_space<vmem>>
    tpu.wait_dma2 semaphore(%arg26 : memref<!tpu.dma_semaphore, #tpu.memory_space<semaphore_mem>>) src(%dma_wait3A_115 : memref<56x128xf32, #tpu.memory_space<vmem>>) dst(%dma_wait3A_112 : memref<56x128xf32, #tpu.memory_space<vmem_shared>>)
    %barrier3A = arith.constant 0 : index
    tpu.barrier barrier_id(%barrier3A)
    %add3A_116 = arith.constant 0 : i32
    %add3A_117 = arith.addi %mul3A_2, %add3A_116 : i32
    %mul3A_118 = arith.constant 96 : i32
    %mul3A_119 = arith.muli %add3A_117, %mul3A_118 : i32
    %dma_wait3A_120 = tpu.memref_slice %arg4[%mul3A_119] : memref<325632xi32, #tpu.memory_space<hbm>> -> memref<96xi32, #tpu.memory_space<hbm>>
    %dma_wait3A_121 = tpu.memref_slice %arg4[%mul3A_119] : memref<325632xi32, #tpu.memory_space<hbm>> -> memref<96xi32, #tpu.memory_space<hbm>>
    tpu.wait_dma2 semaphore(%arg24 : memref<!tpu.dma_semaphore, #tpu.memory_space<semaphore_mem>>) src(%dma_wait3A_121 : memref<96xi32, #tpu.memory_space<hbm>>) dst(%arg11 : memref<96xi32, #tpu.memory_space<vmem>>)
    %add3A_122 = arith.constant 0 : i32
    %add3A_123 = arith.addi %mul3A_2, %add3A_122 : i32
    %mul3A_124 = arith.constant 96 : i32
    %mul3A_125 = arith.muli %add3A_123, %mul3A_124 : i32
    %dma_wait3A_126 = tpu.memref_slice %arg5[%mul3A_125] : memref<325632xi32, #tpu.memory_space<hbm>> -> memref<96xi32, #tpu.memory_space<hbm>>
    %dma_wait3A_127 = tpu.memref_slice %arg5[%mul3A_125] : memref<325632xi32, #tpu.memory_space<hbm>> -> memref<96xi32, #tpu.memory_space<hbm>>
    tpu.wait_dma2 semaphore(%arg24 : memref<!tpu.dma_semaphore, #tpu.memory_space<semaphore_mem>>) src(%dma_wait3A_127 : memref<96xi32, #tpu.memory_space<hbm>>) dst(%arg13 : memref<96xi32, #tpu.memory_space<vmem>>)
    %dma_start3A_128 = arith.constant 0 : i32
    %dma_start3A_129 = arith.constant 0 : i32
    %dma_start3A_130 = tpu.memref_slice %arg2[%dma_start3A_128, %dma_start3A_129] : memref<10000x128xf32, #tpu.memory_space<hbm>> -> memref<10000x128xf32, #tpu.memory_space<hbm>>
    tpu.enqueue_indirect_dma source(%dma_start3A_130 : memref<10000x128xf32, #tpu.memory_space<hbm>>) target(%arg7 : memref<96x128xf32, #tpu.memory_space<vmem>>) offsets(%arg11 : memref<96xi32, #tpu.memory_space<vmem>>) semaphore(%arg18 : memref<!tpu.dma_semaphore, #tpu.memory_space<semaphore_mem>>)
    %add3A_131 = arith.constant 0 : i32
    %add3A_132 = arith.addi %mul3A_2, %add3A_131 : i32
    %mul3A_133 = arith.constant 96 : i32
    %mul3A_134 = arith.muli %add3A_132, %mul3A_133 : i32
    %dma_start3A_135 = arith.constant 0 : i32
    %dma_start3A_136 = tpu.memref_slice %arg3[%mul3A_134, %dma_start3A_135] : memref<325632x128xf32, #tpu.memory_space<hbm>> -> memref<96x128xf32, #tpu.memory_space<hbm>>
    %dma_start3A_137 = arith.constant 0 : i32
    %dma_start3A_138 = tpu.memref_slice %arg3[%mul3A_134, %dma_start3A_137] : memref<325632x128xf32, #tpu.memory_space<hbm>> -> memref<96x128xf32, #tpu.memory_space<hbm>>
    tpu.enqueue_dma source(%dma_start3A_138 : memref<96x128xf32, #tpu.memory_space<hbm>>) target(%arg9 : memref<96x128xf32, #tpu.memory_space<vmem>>) target_semaphore(%arg20 : memref<!tpu.dma_semaphore, #tpu.memory_space<semaphore_mem>>)
    %scan3A_139 = arith.constant 0 : i32
    %scan3A_140 = arith.constant 0 : i32
    %scan3A_141 = arith.constant 53 : i32
    %scan3A_142 = arith.addi %scan3A_140, %scan3A_141 : i32
    %scan3A_143 = arith.constant 1 : i32
    %scan3A_144 = scf.for %scan3A_155 = %scan3A_140 to %scan3A_142 step %scan3A_143 iter_args(%scan3A_156 = %scan3A_139) -> (i32)  : i32 {
      %mul3A_157 = arith.constant 2 : i32
      %mul3A_158 = arith.muli %scan3A_155, %mul3A_157 : i32
      %add3A_159 = arith.constant 0 : i32
      %add3A_160 = arith.addi %mul3A_158, %add3A_159 : i32
      %dma_wait3A_161 = arith.constant 0 : i32
      %dma_wait3A_162 = arith.constant 0 : i32
      %dma_wait3A_163 = tpu.memref_slice %arg2[%dma_wait3A_161, %dma_wait3A_162] : memref<10000x128xf32, #tpu.memory_space<hbm>> -> memref<10000x128xf32, #tpu.memory_space<hbm>>
      tpu.wait_indirect_dma semaphore(%arg18 : memref<!tpu.dma_semaphore, #tpu.memory_space<semaphore_mem>>) src(%dma_wait3A_163 : memref<10000x128xf32, #tpu.memory_space<hbm>>) dst(%arg7 : memref<96x128xf32, #tpu.memory_space<vmem>>)
      %add3A_164 = arith.addi %mul3A_2, %add3A_160 : i32
      %mul3A_165 = arith.constant 96 : i32
      %mul3A_166 = arith.muli %add3A_164, %mul3A_165 : i32
      %dma_wait3A_167 = arith.constant 0 : i32
      %dma_wait3A_168 = tpu.memref_slice %arg3[%mul3A_166, %dma_wait3A_167] : memref<325632x128xf32, #tpu.memory_space<hbm>> -> memref<96x128xf32, #tpu.memory_space<hbm>>
      %dma_wait3A_169 = arith.constant 0 : i32
      %dma_wait3A_170 = tpu.memref_slice %arg3[%mul3A_166, %dma_wait3A_169] : memref<325632x128xf32, #tpu.memory_space<hbm>> -> memref<96x128xf32, #tpu.memory_space<hbm>>
      tpu.wait_dma2 semaphore(%arg20 : memref<!tpu.dma_semaphore, #tpu.memory_space<semaphore_mem>>) src(%dma_wait3A_170 : memref<96x128xf32, #tpu.memory_space<hbm>>) dst(%arg9 : memref<96x128xf32, #tpu.memory_space<vmem>>)
      %add3A_171 = arith.constant 1 : i32
      %add3A_172 = arith.addi %add3A_160, %add3A_171 : i32
      %lt3A = arith.constant 106 : i32
      %lt3A_173 = arith.cmpi slt, %add3A_172, %lt3A : i32
      %convert_element_type3A = arith.extui %lt3A_173 : i1 to i32
      %cond3A = arith.constant 0 : i32
      %cond3A_174 = arith.cmpi ne, %convert_element_type3A, %cond3A : i32
      scf.if %cond3A_174 {
        %ge3A = arith.constant 1 : i32
        %ge3A_313 = arith.cmpi sge, %add3A_160, %ge3A : i32
        %convert_element_type3A_314 = arith.extui %ge3A_313 : i1 to i32
        %cond3A_315 = arith.constant 0 : i32
        %cond3A_316 = arith.cmpi ne, %convert_element_type3A_314, %cond3A_315 : i32
        scf.if %cond3A_316 {
          %sub3A = arith.constant 1 : i32
          %sub3A_341 = arith.subi %add3A_160, %sub3A : i32
          %dma_wait3A_342 = arith.constant 0 : i32
          %dma_wait3A_343 = arith.constant 0 : i32
          %dma_wait3A_344 = tpu.memref_slice %arg17[%dma_wait3A_342, %dma_wait3A_343] : memref<10112x128xf32, #tpu.memory_space<vmem_shared>> -> memref<10112x128xf32, #tpu.memory_space<vmem_shared>>
          tpu.wait_indirect_dma semaphore(%arg23 : memref<!tpu.dma_semaphore, #tpu.memory_space<semaphore_mem>>) src(%arg8 : memref<96x128xf32, #tpu.memory_space<vmem>>) dst(%dma_wait3A_344 : memref<10112x128xf32, #tpu.memory_space<vmem_shared>>)
        } else {
        }
        %add3A_317 = arith.constant 1 : i32
        %add3A_318 = arith.addi %add3A_160, %add3A_317 : i32
        %add3A_319 = arith.addi %mul3A_2, %add3A_318 : i32
        %mul3A_320 = arith.constant 96 : i32
        %mul3A_321 = arith.muli %add3A_319, %mul3A_320 : i32
        %dma_wait3A_322 = tpu.memref_slice %arg4[%mul3A_321] : memref<325632xi32, #tpu.memory_space<hbm>> -> memref<96xi32, #tpu.memory_space<hbm>>
        %dma_wait3A_323 = tpu.memref_slice %arg4[%mul3A_321] : memref<325632xi32, #tpu.memory_space<hbm>> -> memref<96xi32, #tpu.memory_space<hbm>>
        tpu.wait_dma2 semaphore(%arg25 : memref<!tpu.dma_semaphore, #tpu.memory_space<semaphore_mem>>) src(%dma_wait3A_323 : memref<96xi32, #tpu.memory_space<hbm>>) dst(%arg12 : memref<96xi32, #tpu.memory_space<vmem>>)
        %add3A_324 = arith.addi %mul3A_2, %add3A_318 : i32
        %mul3A_325 = arith.constant 96 : i32
        %mul3A_326 = arith.muli %add3A_324, %mul3A_325 : i32
        %dma_wait3A_327 = tpu.memref_slice %arg5[%mul3A_326] : memref<325632xi32, #tpu.memory_space<hbm>> -> memref<96xi32, #tpu.memory_space<hbm>>
        %dma_wait3A_328 = tpu.memref_slice %arg5[%mul3A_326] : memref<325632xi32, #tpu.memory_space<hbm>> -> memref<96xi32, #tpu.memory_space<hbm>>
        tpu.wait_dma2 semaphore(%arg25 : memref<!tpu.dma_semaphore, #tpu.memory_space<semaphore_mem>>) src(%dma_wait3A_328 : memref<96xi32, #tpu.memory_space<hbm>>) dst(%arg14 : memref<96xi32, #tpu.memory_space<vmem>>)
        %add3A_329 = arith.constant 1 : i32
        %add3A_330 = arith.addi %add3A_160, %add3A_329 : i32
        %dma_start3A_331 = arith.constant 0 : i32
        %dma_start3A_332 = arith.constant 0 : i32
        %dma_start3A_333 = tpu.memref_slice %arg2[%dma_start3A_331, %dma_start3A_332] : memref<10000x128xf32, #tpu.memory_space<hbm>> -> memref<10000x128xf32, #tpu.memory_space<hbm>>
        tpu.enqueue_indirect_dma source(%dma_start3A_333 : memref<10000x128xf32, #tpu.memory_space<hbm>>) target(%arg8 : memref<96x128xf32, #tpu.memory_space<vmem>>) offsets(%arg12 : memref<96xi32, #tpu.memory_space<vmem>>) semaphore(%arg19 : memref<!tpu.dma_semaphore, #tpu.memory_space<semaphore_mem>>)
        %add3A_334 = arith.addi %mul3A_2, %add3A_330 : i32
        %mul3A_335 = arith.constant 96 : i32
        %mul3A_336 = arith.muli %add3A_334, %mul3A_335 : i32
        %dma_start3A_337 = arith.constant 0 : i32
        %dma_start3A_338 = tpu.memref_slice %arg3[%mul3A_336, %dma_start3A_337] : memref<325632x128xf32, #tpu.memory_space<hbm>> -> memref<96x128xf32, #tpu.memory_space<hbm>>
        %dma_start3A_339 = arith.constant 0 : i32
        %dma_start3A_340 = tpu.memref_slice %arg3[%mul3A_336, %dma_start3A_339] : memref<325632x128xf32, #tpu.memory_space<hbm>> -> memref<96x128xf32, #tpu.memory_space<hbm>>
        tpu.enqueue_dma source(%dma_start3A_340 : memref<96x128xf32, #tpu.memory_space<hbm>>) target(%arg10 : memref<96x128xf32, #tpu.memory_space<vmem>>) target_semaphore(%arg21 : memref<!tpu.dma_semaphore, #tpu.memory_space<semaphore_mem>>)
      } else {
      }
      %get3A = arith.constant 0 : index
      %get3A_175 = tpu.vector_load %arg13[%get3A] {strides = array<i32>} : memref<96xi32, #tpu.memory_space<vmem>>, vector<16xi32>,
      %get3A_176 = vector.shape_cast %get3A_175 : vector<16xi32> to vector<16xi32>
      %swap3A = arith.constant 0 : index
      %swap3A_177 = tpu.vector_load %arg15[%swap3A] {strides = array<i32>} : memref<96xi32, #tpu.memory_space<vmem>>, vector<16xi32>,
      %swap3A_178 = vector.shape_cast %swap3A_177 : vector<16xi32> to vector<16xi32>
      %swap3A_179 = vector.shape_cast %get3A_176 : vector<16xi32> to vector<16xi32>
      tpu.vector_store %arg15[%swap3A], %swap3A_179 {strides = array<i32>} : memref<96xi32, #tpu.memory_space<vmem>>, vector<16xi32>,
      %get3A_180 = arith.constant 16 : index
      %get3A_181 = tpu.vector_load %arg13[%get3A_180] {strides = array<i32>} : memref<96xi32, #tpu.memory_space<vmem>>, vector<16xi32>,
      %get3A_182 = vector.shape_cast %get3A_181 : vector<16xi32> to vector<16xi32>
      %swap3A_183 = arith.constant 16 : index
      %swap3A_184 = tpu.vector_load %arg15[%swap3A_183] {strides = array<i32>} : memref<96xi32, #tpu.memory_space<vmem>>, vector<16xi32>,
      %swap3A_185 = vector.shape_cast %swap3A_184 : vector<16xi32> to vector<16xi32>
      %swap3A_186 = vector.shape_cast %get3A_182 : vector<16xi32> to vector<16xi32>
      tpu.vector_store %arg15[%swap3A_183], %swap3A_186 {strides = array<i32>} : memref<96xi32, #tpu.memory_space<vmem>>, vector<16xi32>,
      %get3A_187 = arith.constant 32 : index
      %get3A_188 = tpu.vector_load %arg13[%get3A_187] {strides = array<i32>} : memref<96xi32, #tpu.memory_space<vmem>>, vector<16xi32>,
      %get3A_189 = vector.shape_cast %get3A_188 : vector<16xi32> to vector<16xi32>
      %swap3A_190 = arith.constant 32 : index
      %swap3A_191 = tpu.vector_load %arg15[%swap3A_190] {strides = array<i32>} : memref<96xi32, #tpu.memory_space<vmem>>, vector<16xi32>,
      %swap3A_192 = vector.shape_cast %swap3A_191 : vector<16xi32> to vector<16xi32>
      %swap3A_193 = vector.shape_cast %get3A_189 : vector<16xi32> to vector<16xi32>
      tpu.vector_store %arg15[%swap3A_190], %swap3A_193 {strides = array<i32>} : memref<96xi32, #tpu.memory_space<vmem>>, vector<16xi32>,
      %get3A_194 = arith.constant 48 : index
      %get3A_195 = tpu.vector_load %arg13[%get3A_194] {strides = array<i32>} : memref<96xi32, #tpu.memory_space<vmem>>, vector<16xi32>,
      %get3A_196 = vector.shape_cast %get3A_195 : vector<16xi32> to vector<16xi32>
      %swap3A_197 = arith.constant 48 : index
      %swap3A_198 = tpu.vector_load %arg15[%swap3A_197] {strides = array<i32>} : memref<96xi32, #tpu.memory_space<vmem>>, vector<16xi32>,
      %swap3A_199 = vector.shape_cast %swap3A_198 : vector<16xi32> to vector<16xi32>
      %swap3A_200 = vector.shape_cast %get3A_196 : vector<16xi32> to vector<16xi32>
      tpu.vector_store %arg15[%swap3A_197], %swap3A_200 {strides = array<i32>} : memref<96xi32, #tpu.memory_space<vmem>>, vector<16xi32>,
      %get3A_201 = arith.constant 64 : index
      %get3A_202 = tpu.vector_load %arg13[%get3A_201] {strides = array<i32>} : memref<96xi32, #tpu.memory_space<vmem>>, vector<16xi32>,
      %get3A_203 = vector.shape_cast %get3A_202 : vector<16xi32> to vector<16xi32>
      %swap3A_204 = arith.constant 64 : index
      %swap3A_205 = tpu.vector_load %arg15[%swap3A_204] {strides = array<i32>} : memref<96xi32, #tpu.memory_space<vmem>>, vector<16xi32>,
      %swap3A_206 = vector.shape_cast %swap3A_205 : vector<16xi32> to vector<16xi32>
      %swap3A_207 = vector.shape_cast %get3A_203 : vector<16xi32> to vector<16xi32>
      tpu.vector_store %arg15[%swap3A_204], %swap3A_207 {strides = array<i32>} : memref<96xi32, #tpu.memory_space<vmem>>, vector<16xi32>,
      %get3A_208 = arith.constant 80 : index
      %get3A_209 = tpu.vector_load %arg13[%get3A_208] {strides = array<i32>} : memref<96xi32, #tpu.memory_space<vmem>>, vector<16xi32>,
      %get3A_210 = vector.shape_cast %get3A_209 : vector<16xi32> to vector<16xi32>
      %swap3A_211 = arith.constant 80 : index
      %swap3A_212 = tpu.vector_load %arg15[%swap3A_211] {strides = array<i32>} : memref<96xi32, #tpu.memory_space<vmem>>, vector<16xi32>,
      %swap3A_213 = vector.shape_cast %swap3A_212 : vector<16xi32> to vector<16xi32>
      %swap3A_214 = vector.shape_cast %get3A_210 : vector<16xi32> to vector<16xi32>
      tpu.vector_store %arg15[%swap3A_211], %swap3A_214 {strides = array<i32>} : memref<96xi32, #tpu.memory_space<vmem>>, vector<16xi32>,
      %add3A_215 = arith.constant 2 : i32
      %add3A_216 = arith.addi %add3A_160, %add3A_215 : i32
      %lt3A_217 = arith.constant 106 : i32
      %lt3A_218 = arith.cmpi slt, %add3A_216, %lt3A_217 : i32
      %convert_element_type3A_219 = arith.extui %lt3A_218 : i1 to i32
      %cond3A_220 = arith.constant 0 : i32
      %cond3A_221 = arith.cmpi ne, %convert_element_type3A_219, %cond3A_220 : i32
      scf.if %cond3A_221 {
        %add3A_313 = arith.constant 2 : i32
        %add3A_314 = arith.addi %add3A_160, %add3A_313 : i32
        %add3A_315 = arith.addi %mul3A_2, %add3A_314 : i32
        %mul3A_316 = arith.constant 96 : i32
        %mul3A_317 = arith.muli %add3A_315, %mul3A_316 : i32
        %dma_start3A_318 = tpu.memref_slice %arg4[%mul3A_317] : memref<325632xi32, #tpu.memory_space<hbm>> -> memref<96xi32, #tpu.memory_space<hbm>>
        %dma_start3A_319 = tpu.memref_slice %arg4[%mul3A_317] : memref<325632xi32, #tpu.memory_space<hbm>> -> memref<96xi32, #tpu.memory_space<hbm>>
        tpu.enqueue_dma source(%dma_start3A_319 : memref<96xi32, #tpu.memory_space<hbm>>) target(%arg11 : memref<96xi32, #tpu.memory_space<vmem>>) target_semaphore(%arg24 : memref<!tpu.dma_semaphore, #tpu.memory_space<semaphore_mem>>)
        %add3A_320 = arith.addi %mul3A_2, %add3A_314 : i32
        %mul3A_321 = arith.constant 96 : i32
        %mul3A_322 = arith.muli %add3A_320, %mul3A_321 : i32
        %dma_start3A_323 = tpu.memref_slice %arg5[%mul3A_322] : memref<325632xi32, #tpu.memory_space<hbm>> -> memref<96xi32, #tpu.memory_space<hbm>>
        %dma_start3A_324 = tpu.memref_slice %arg5[%mul3A_322] : memref<325632xi32, #tpu.memory_space<hbm>> -> memref<96xi32, #tpu.memory_space<hbm>>
        tpu.enqueue_dma source(%dma_start3A_324 : memref<96xi32, #tpu.memory_space<hbm>>) target(%arg13 : memref<96xi32, #tpu.memory_space<vmem>>) target_semaphore(%arg24 : memref<!tpu.dma_semaphore, #tpu.memory_space<semaphore_mem>>)
      } else {
      }
      %scan3A_222 = arith.constant 0 : i32
      %scan3A_223 = arith.constant 0 : i32
      %scan3A_224 = arith.constant 96 : i32
      %scan3A_225 = arith.addi %scan3A_223, %scan3A_224 : i32
      %scan3A_226 = arith.constant 1 : i32
      %scan3A_227 = scf.for %scan3A_313 = %scan3A_223 to %scan3A_225 step %scan3A_226 iter_args(%scan3A_314 = %scan3A_222) -> (i32)  : i32 {
        %get3A_315 = arith.index_cast %scan3A_313 : i32 to index
        %get3A_316 = arith.constant 0 : index
        %get3A_317 = tpu.vector_load %arg7[%get3A_315, %get3A_316] {strides = array<i32>} : memref<96x128xf32, #tpu.memory_space<vmem>>, vector<1x16xf32>,
        %get3A_318 = vector.shape_cast %get3A_317 : vector<1x16xf32> to vector<16xf32>
        %get3A_319 = arith.index_cast %scan3A_313 : i32 to index
        %get3A_320 = arith.constant 0 : index
        %get3A_321 = tpu.vector_load %arg9[%get3A_319, %get3A_320] {strides = array<i32>} : memref<96x128xf32, #tpu.memory_space<vmem>>, vector<1x16xf32>,
        %get3A_322 = vector.shape_cast %get3A_321 : vector<1x16xf32> to vector<16xf32>
        %mul3A_323 = arith.mulf %get3A_318, %get3A_322 : vector<16xf32>
        %swap3A_324 = arith.index_cast %scan3A_313 : i32 to index
        %swap3A_325 = arith.constant 0 : index
        %swap3A_326 = tpu.vector_load %arg7[%swap3A_324, %swap3A_325] {strides = array<i32>} : memref<96x128xf32, #tpu.memory_space<vmem>>, vector<1x16xf32>,
        %swap3A_327 = vector.shape_cast %swap3A_326 : vector<1x16xf32> to vector<16xf32>
        %swap3A_328 = vector.shape_cast %mul3A_323 : vector<16xf32> to vector<1x16xf32>
        tpu.vector_store %arg7[%swap3A_324, %swap3A_325], %swap3A_328 {strides = array<i32>} : memref<96x128xf32, #tpu.memory_space<vmem>>, vector<1x16xf32>,
        %get3A_329 = arith.index_cast %scan3A_313 : i32 to index
        %get3A_330 = arith.constant 16 : index
        %get3A_331 = tpu.vector_load %arg7[%get3A_329, %get3A_330] {strides = array<i32>} : memref<96x128xf32, #tpu.memory_space<vmem>>, vector<1x16xf32>,
        %get3A_332 = vector.shape_cast %get3A_331 : vector<1x16xf32> to vector<16xf32>
        %get3A_333 = arith.index_cast %scan3A_313 : i32 to index
        %get3A_334 = arith.constant 16 : index
        %get3A_335 = tpu.vector_load %arg9[%get3A_333, %get3A_334] {strides = array<i32>} : memref<96x128xf32, #tpu.memory_space<vmem>>, vector<1x16xf32>,
        %get3A_336 = vector.shape_cast %get3A_335 : vector<1x16xf32> to vector<16xf32>
        %mul3A_337 = arith.mulf %get3A_332, %get3A_336 : vector<16xf32>
        %swap3A_338 = arith.index_cast %scan3A_313 : i32 to index
        %swap3A_339 = arith.constant 16 : index
        %swap3A_340 = tpu.vector_load %arg7[%swap3A_338, %swap3A_339] {strides = array<i32>} : memref<96x128xf32, #tpu.memory_space<vmem>>, vector<1x16xf32>,
        %swap3A_341 = vector.shape_cast %swap3A_340 : vector<1x16xf32> to vector<16xf32>
        %swap3A_342 = vector.shape_cast %mul3A_337 : vector<16xf32> to vector<1x16xf32>
        tpu.vector_store %arg7[%swap3A_338, %swap3A_339], %swap3A_342 {strides = array<i32>} : memref<96x128xf32, #tpu.memory_space<vmem>>, vector<1x16xf32>,
        %get3A_343 = arith.index_cast %scan3A_313 : i32 to index
        %get3A_344 = arith.constant 32 : index
        %get3A_345 = tpu.vector_load %arg7[%get3A_343, %get3A_344] {strides = array<i32>} : memref<96x128xf32, #tpu.memory_space<vmem>>, vector<1x16xf32>,
        %get3A_346 = vector.shape_cast %get3A_345 : vector<1x16xf32> to vector<16xf32>
        %get3A_347 = arith.index_cast %scan3A_313 : i32 to index
        %get3A_348 = arith.constant 32 : index
        %get3A_349 = tpu.vector_load %arg9[%get3A_347, %get3A_348] {strides = array<i32>} : memref<96x128xf32, #tpu.memory_space<vmem>>, vector<1x16xf32>,
        %get3A_350 = vector.shape_cast %get3A_349 : vector<1x16xf32> to vector<16xf32>
        %mul3A_351 = arith.mulf %get3A_346, %get3A_350 : vector<16xf32>
        %swap3A_352 = arith.index_cast %scan3A_313 : i32 to index
        %swap3A_353 = arith.constant 32 : index
        %swap3A_354 = tpu.vector_load %arg7[%swap3A_352, %swap3A_353] {strides = array<i32>} : memref<96x128xf32, #tpu.memory_space<vmem>>, vector<1x16xf32>,
        %swap3A_355 = vector.shape_cast %swap3A_354 : vector<1x16xf32> to vector<16xf32>
        %swap3A_356 = vector.shape_cast %mul3A_351 : vector<16xf32> to vector<1x16xf32>
        tpu.vector_store %arg7[%swap3A_352, %swap3A_353], %swap3A_356 {strides = array<i32>} : memref<96x128xf32, #tpu.memory_space<vmem>>, vector<1x16xf32>,
        %get3A_357 = arith.index_cast %scan3A_313 : i32 to index
        %get3A_358 = arith.constant 48 : index
        %get3A_359 = tpu.vector_load %arg7[%get3A_357, %get3A_358] {strides = array<i32>} : memref<96x128xf32, #tpu.memory_space<vmem>>, vector<1x16xf32>,
        %get3A_360 = vector.shape_cast %get3A_359 : vector<1x16xf32> to vector<16xf32>
        %get3A_361 = arith.index_cast %scan3A_313 : i32 to index
        %get3A_362 = arith.constant 48 : index
        %get3A_363 = tpu.vector_load %arg9[%get3A_361, %get3A_362] {strides = array<i32>} : memref<96x128xf32, #tpu.memory_space<vmem>>, vector<1x16xf32>,
        %get3A_364 = vector.shape_cast %get3A_363 : vector<1x16xf32> to vector<16xf32>
        %mul3A_365 = arith.mulf %get3A_360, %get3A_364 : vector<16xf32>
        %swap3A_366 = arith.index_cast %scan3A_313 : i32 to index
        %swap3A_367 = arith.constant 48 : index
        %swap3A_368 = tpu.vector_load %arg7[%swap3A_366, %swap3A_367] {strides = array<i32>} : memref<96x128xf32, #tpu.memory_space<vmem>>, vector<1x16xf32>,
        %swap3A_369 = vector.shape_cast %swap3A_368 : vector<1x16xf32> to vector<16xf32>
        %swap3A_370 = vector.shape_cast %mul3A_365 : vector<16xf32> to vector<1x16xf32>
        tpu.vector_store %arg7[%swap3A_366, %swap3A_367], %swap3A_370 {strides = array<i32>} : memref<96x128xf32, #tpu.memory_space<vmem>>, vector<1x16xf32>,
        %get3A_371 = arith.index_cast %scan3A_313 : i32 to index
        %get3A_372 = arith.constant 64 : index
        %get3A_373 = tpu.vector_load %arg7[%get3A_371, %get3A_372] {strides = array<i32>} : memref<96x128xf32, #tpu.memory_space<vmem>>, vector<1x16xf32>,
        %get3A_374 = vector.shape_cast %get3A_373 : vector<1x16xf32> to vector<16xf32>
        %get3A_375 = arith.index_cast %scan3A_313 : i32 to index
        %get3A_376 = arith.constant 64 : index
        %get3A_377 = tpu.vector_load %arg9[%get3A_375, %get3A_376] {strides = array<i32>} : memref<96x128xf32, #tpu.memory_space<vmem>>, vector<1x16xf32>,
        %get3A_378 = vector.shape_cast %get3A_377 : vector<1x16xf32> to vector<16xf32>
        %mul3A_379 = arith.mulf %get3A_374, %get3A_378 : vector<16xf32>
        %swap3A_380 = arith.index_cast %scan3A_313 : i32 to index
        %swap3A_381 = arith.constant 64 : index
        %swap3A_382 = tpu.vector_load %arg7[%swap3A_380, %swap3A_381] {strides = array<i32>} : memref<96x128xf32, #tpu.memory_space<vmem>>, vector<1x16xf32>,
        %swap3A_383 = vector.shape_cast %swap3A_382 : vector<1x16xf32> to vector<16xf32>
        %swap3A_384 = vector.shape_cast %mul3A_379 : vector<16xf32> to vector<1x16xf32>
        tpu.vector_store %arg7[%swap3A_380, %swap3A_381], %swap3A_384 {strides = array<i32>} : memref<96x128xf32, #tpu.memory_space<vmem>>, vector<1x16xf32>,
        %get3A_385 = arith.index_cast %scan3A_313 : i32 to index
        %get3A_386 = arith.constant 80 : index
        %get3A_387 = tpu.vector_load %arg7[%get3A_385, %get3A_386] {strides = array<i32>} : memref<96x128xf32, #tpu.memory_space<vmem>>, vector<1x16xf32>,
        %get3A_388 = vector.shape_cast %get3A_387 : vector<1x16xf32> to vector<16xf32>
        %get3A_389 = arith.index_cast %scan3A_313 : i32 to index
        %get3A_390 = arith.constant 80 : index
        %get3A_391 = tpu.vector_load %arg9[%get3A_389, %get3A_390] {strides = array<i32>} : memref<96x128xf32, #tpu.memory_space<vmem>>, vector<1x16xf32>,
        %get3A_392 = vector.shape_cast %get3A_391 : vector<1x16xf32> to vector<16xf32>
        %mul3A_393 = arith.mulf %get3A_388, %get3A_392 : vector<16xf32>
        %swap3A_394 = arith.index_cast %scan3A_313 : i32 to index
        %swap3A_395 = arith.constant 80 : index
        %swap3A_396 = tpu.vector_load %arg7[%swap3A_394, %swap3A_395] {strides = array<i32>} : memref<96x128xf32, #tpu.memory_space<vmem>>, vector<1x16xf32>,
        %swap3A_397 = vector.shape_cast %swap3A_396 : vector<1x16xf32> to vector<16xf32>
        %swap3A_398 = vector.shape_cast %mul3A_393 : vector<16xf32> to vector<1x16xf32>
        tpu.vector_store %arg7[%swap3A_394, %swap3A_395], %swap3A_398 {strides = array<i32>} : memref<96x128xf32, #tpu.memory_space<vmem>>, vector<1x16xf32>,
        %get3A_399 = arith.index_cast %scan3A_313 : i32 to index
        %get3A_400 = arith.constant 96 : index
        %get3A_401 = tpu.vector_load %arg7[%get3A_399, %get3A_400] {strides = array<i32>} : memref<96x128xf32, #tpu.memory_space<vmem>>, vector<1x16xf32>,
        %get3A_402 = vector.shape_cast %get3A_401 : vector<1x16xf32> to vector<16xf32>
        %get3A_403 = arith.index_cast %scan3A_313 : i32 to index
        %get3A_404 = arith.constant 96 : index
        %get3A_405 = tpu.vector_load %arg9[%get3A_403, %get3A_404] {strides = array<i32>} : memref<96x128xf32, #tpu.memory_space<vmem>>, vector<1x16xf32>,
        %get3A_406 = vector.shape_cast %get3A_405 : vector<1x16xf32> to vector<16xf32>
        %mul3A_407 = arith.mulf %get3A_402, %get3A_406 : vector<16xf32>
        %swap3A_408 = arith.index_cast %scan3A_313 : i32 to index
        %swap3A_409 = arith.constant 96 : index
        %swap3A_410 = tpu.vector_load %arg7[%swap3A_408, %swap3A_409] {strides = array<i32>} : memref<96x128xf32, #tpu.memory_space<vmem>>, vector<1x16xf32>,
        %swap3A_411 = vector.shape_cast %swap3A_410 : vector<1x16xf32> to vector<16xf32>
        %swap3A_412 = vector.shape_cast %mul3A_407 : vector<16xf32> to vector<1x16xf32>
        tpu.vector_store %arg7[%swap3A_408, %swap3A_409], %swap3A_412 {strides = array<i32>} : memref<96x128xf32, #tpu.memory_space<vmem>>, vector<1x16xf32>,
        %get3A_413 = arith.index_cast %scan3A_313 : i32 to index
        %get3A_414 = arith.constant 112 : index
        %get3A_415 = tpu.vector_load %arg7[%get3A_413, %get3A_414] {strides = array<i32>} : memref<96x128xf32, #tpu.memory_space<vmem>>, vector<1x16xf32>,
        %get3A_416 = vector.shape_cast %get3A_415 : vector<1x16xf32> to vector<16xf32>
        %get3A_417 = arith.index_cast %scan3A_313 : i32 to index
        %get3A_418 = arith.constant 112 : index
        %get3A_419 = tpu.vector_load %arg9[%get3A_417, %get3A_418] {strides = array<i32>} : memref<96x128xf32, #tpu.memory_space<vmem>>, vector<1x16xf32>,
        %get3A_420 = vector.shape_cast %get3A_419 : vector<1x16xf32> to vector<16xf32>
        %mul3A_421 = arith.mulf %get3A_416, %get3A_420 : vector<16xf32>
        %swap3A_422 = arith.index_cast %scan3A_313 : i32 to index
        %swap3A_423 = arith.constant 112 : index
        %swap3A_424 = tpu.vector_load %arg7[%swap3A_422, %swap3A_423] {strides = array<i32>} : memref<96x128xf32, #tpu.memory_space<vmem>>, vector<1x16xf32>,
        %swap3A_425 = vector.shape_cast %swap3A_424 : vector<1x16xf32> to vector<16xf32>
        %swap3A_426 = vector.shape_cast %mul3A_421 : vector<16xf32> to vector<1x16xf32>
        tpu.vector_store %arg7[%swap3A_422, %swap3A_423], %swap3A_426 {strides = array<i32>} : memref<96x128xf32, #tpu.memory_space<vmem>>, vector<1x16xf32>,
        %scan3A_427 = arith.constant 0 : i32
        scf.yield %scan3A_427 : i32
      }
      %scan3A_228 = arith.constant 96 : i32
      %dma_start3A_229 = arith.constant 0 : i32
      %dma_start3A_230 = arith.constant 0 : i32
      %dma_start3A_231 = tpu.memref_slice %arg17[%dma_start3A_229, %dma_start3A_230] : memref<10112x128xf32, #tpu.memory_space<vmem_shared>> -> memref<10112x128xf32, #tpu.memory_space<vmem_shared>>
      tpu.enqueue_indirect_dma source(%arg7 : memref<96x128xf32, #tpu.memory_space<vmem>>) target(%dma_start3A_231 : memref<10112x128xf32, #tpu.memory_space<vmem_shared>>) offsets(%arg15 : memref<96xi32, #tpu.memory_space<vmem>>) semaphore(%arg22 : memref<!tpu.dma_semaphore, #tpu.memory_space<semaphore_mem>>) {add = true}
      %mul3A_232 = arith.constant 2 : i32
      %mul3A_233 = arith.muli %scan3A_155, %mul3A_232 : i32
      %add3A_234 = arith.constant 1 : i32
      %add3A_235 = arith.addi %mul3A_233, %add3A_234 : i32
      %dma_wait3A_236 = arith.constant 0 : i32
      %dma_wait3A_237 = arith.constant 0 : i32
      %dma_wait3A_238 = tpu.memref_slice %arg2[%dma_wait3A_236, %dma_wait3A_237] : memref<10000x128xf32, #tpu.memory_space<hbm>> -> memref<10000x128xf32, #tpu.memory_space<hbm>>
      tpu.wait_indirect_dma semaphore(%arg19 : memref<!tpu.dma_semaphore, #tpu.memory_space<semaphore_mem>>) src(%dma_wait3A_238 : memref<10000x128xf32, #tpu.memory_space<hbm>>) dst(%arg8 : memref<96x128xf32, #tpu.memory_space<vmem>>)
      %add3A_239 = arith.addi %mul3A_2, %add3A_235 : i32
      %mul3A_240 = arith.constant 96 : i32
      %mul3A_241 = arith.muli %add3A_239, %mul3A_240 : i32
      %dma_wait3A_242 = arith.constant 0 : i32
      %dma_wait3A_243 = tpu.memref_slice %arg3[%mul3A_241, %dma_wait3A_242] : memref<325632x128xf32, #tpu.memory_space<hbm>> -> memref<96x128xf32, #tpu.memory_space<hbm>>
      %dma_wait3A_244 = arith.constant 0 : i32
      %dma_wait3A_245 = tpu.memref_slice %arg3[%mul3A_241, %dma_wait3A_244] : memref<325632x128xf32, #tpu.memory_space<hbm>> -> memref<96x128xf32, #tpu.memory_space<hbm>>
      tpu.wait_dma2 semaphore(%arg21 : memref<!tpu.dma_semaphore, #tpu.memory_space<semaphore_mem>>) src(%dma_wait3A_245 : memref<96x128xf32, #tpu.memory_space<hbm>>) dst(%arg10 : memref<96x128xf32, #tpu.memory_space<vmem>>)
      %add3A_246 = arith.constant 1 : i32
      %add3A_247 = arith.addi %add3A_235, %add3A_246 : i32
      %lt3A_248 = arith.constant 106 : i32
      %lt3A_249 = arith.cmpi slt, %add3A_247, %lt3A_248 : i32
      %convert_element_type3A_250 = arith.extui %lt3A_249 : i1 to i32
      %cond3A_251 = arith.constant 0 : i32
      %cond3A_252 = arith.cmpi ne, %convert_element_type3A_250, %cond3A_251 : i32
      scf.if %cond3A_252 {
        %ge3A = arith.constant 1 : i32
        %ge3A_313 = arith.cmpi sge, %add3A_235, %ge3A : i32
        %convert_element_type3A_314 = arith.extui %ge3A_313 : i1 to i32
        %cond3A_315 = arith.constant 0 : i32
        %cond3A_316 = arith.cmpi ne, %convert_element_type3A_314, %cond3A_315 : i32
        scf.if %cond3A_316 {
          %sub3A = arith.constant 1 : i32
          %sub3A_341 = arith.subi %add3A_235, %sub3A : i32
          %dma_wait3A_342 = arith.constant 0 : i32
          %dma_wait3A_343 = arith.constant 0 : i32
          %dma_wait3A_344 = tpu.memref_slice %arg17[%dma_wait3A_342, %dma_wait3A_343] : memref<10112x128xf32, #tpu.memory_space<vmem_shared>> -> memref<10112x128xf32, #tpu.memory_space<vmem_shared>>
          tpu.wait_indirect_dma semaphore(%arg22 : memref<!tpu.dma_semaphore, #tpu.memory_space<semaphore_mem>>) src(%arg7 : memref<96x128xf32, #tpu.memory_space<vmem>>) dst(%dma_wait3A_344 : memref<10112x128xf32, #tpu.memory_space<vmem_shared>>)
        } else {
        }
        %add3A_317 = arith.constant 1 : i32
        %add3A_318 = arith.addi %add3A_235, %add3A_317 : i32
        %add3A_319 = arith.addi %mul3A_2, %add3A_318 : i32
        %mul3A_320 = arith.constant 96 : i32
        %mul3A_321 = arith.muli %add3A_319, %mul3A_320 : i32
        %dma_wait3A_322 = tpu.memref_slice %arg4[%mul3A_321] : memref<325632xi32, #tpu.memory_space<hbm>> -> memref<96xi32, #tpu.memory_space<hbm>>
        %dma_wait3A_323 = tpu.memref_slice %arg4[%mul3A_321] : memref<325632xi32, #tpu.memory_space<hbm>> -> memref<96xi32, #tpu.memory_space<hbm>>
        tpu.wait_dma2 semaphore(%arg24 : memref<!tpu.dma_semaphore, #tpu.memory_space<semaphore_mem>>) src(%dma_wait3A_323 : memref<96xi32, #tpu.memory_space<hbm>>) dst(%arg11 : memref<96xi32, #tpu.memory_space<vmem>>)
        %add3A_324 = arith.addi %mul3A_2, %add3A_318 : i32
        %mul3A_325 = arith.constant 96 : i32
        %mul3A_326 = arith.muli %add3A_324, %mul3A_325 : i32
        %dma_wait3A_327 = tpu.memref_slice %arg5[%mul3A_326] : memref<325632xi32, #tpu.memory_space<hbm>> -> memref<96xi32, #tpu.memory_space<hbm>>
        %dma_wait3A_328 = tpu.memref_slice %arg5[%mul3A_326] : memref<325632xi32, #tpu.memory_space<hbm>> -> memref<96xi32, #tpu.memory_space<hbm>>
        tpu.wait_dma2 semaphore(%arg24 : memref<!tpu.dma_semaphore, #tpu.memory_space<semaphore_mem>>) src(%dma_wait3A_328 : memref<96xi32, #tpu.memory_space<hbm>>) dst(%arg13 : memref<96xi32, #tpu.memory_space<vmem>>)
        %add3A_329 = arith.constant 1 : i32
        %add3A_330 = arith.addi %add3A_235, %add3A_329 : i32
        %dma_start3A_331 = arith.constant 0 : i32
        %dma_start3A_332 = arith.constant 0 : i32
        %dma_start3A_333 = tpu.memref_slice %arg2[%dma_start3A_331, %dma_start3A_332] : memref<10000x128xf32, #tpu.memory_space<hbm>> -> memref<10000x128xf32, #tpu.memory_space<hbm>>
        tpu.enqueue_indirect_dma source(%dma_start3A_333 : memref<10000x128xf32, #tpu.memory_space<hbm>>) target(%arg7 : memref<96x128xf32, #tpu.memory_space<vmem>>) offsets(%arg11 : memref<96xi32, #tpu.memory_space<vmem>>) semaphore(%arg18 : memref<!tpu.dma_semaphore, #tpu.memory_space<semaphore_mem>>)
        %add3A_334 = arith.addi %mul3A_2, %add3A_330 : i32
        %mul3A_335 = arith.constant 96 : i32
        %mul3A_336 = arith.muli %add3A_334, %mul3A_335 : i32
        %dma_start3A_337 = arith.constant 0 : i32
        %dma_start3A_338 = tpu.memref_slice %arg3[%mul3A_336, %dma_start3A_337] : memref<325632x128xf32, #tpu.memory_space<hbm>> -> memref<96x128xf32, #tpu.memory_space<hbm>>
        %dma_start3A_339 = arith.constant 0 : i32
        %dma_start3A_340 = tpu.memref_slice %arg3[%mul3A_336, %dma_start3A_339] : memref<325632x128xf32, #tpu.memory_space<hbm>> -> memref<96x128xf32, #tpu.memory_space<hbm>>
        tpu.enqueue_dma source(%dma_start3A_340 : memref<96x128xf32, #tpu.memory_space<hbm>>) target(%arg9 : memref<96x128xf32, #tpu.memory_space<vmem>>) target_semaphore(%arg20 : memref<!tpu.dma_semaphore, #tpu.memory_space<semaphore_mem>>)
      } else {
      }
      %get3A_253 = arith.constant 0 : index
      %get3A_254 = tpu.vector_load %arg14[%get3A_253] {strides = array<i32>} : memref<96xi32, #tpu.memory_space<vmem>>, vector<16xi32>,
      %get3A_255 = vector.shape_cast %get3A_254 : vector<16xi32> to vector<16xi32>
      %swap3A_256 = arith.constant 0 : index
      %swap3A_257 = tpu.vector_load %arg16[%swap3A_256] {strides = array<i32>} : memref<96xi32, #tpu.memory_space<vmem>>, vector<16xi32>,
      %swap3A_258 = vector.shape_cast %swap3A_257 : vector<16xi32> to vector<16xi32>
      %swap3A_259 = vector.shape_cast %get3A_255 : vector<16xi32> to vector<16xi32>
      tpu.vector_store %arg16[%swap3A_256], %swap3A_259 {strides = array<i32>} : memref<96xi32, #tpu.memory_space<vmem>>, vector<16xi32>,
      %get3A_260 = arith.constant 16 : index
      %get3A_261 = tpu.vector_load %arg14[%get3A_260] {strides = array<i32>} : memref<96xi32, #tpu.memory_space<vmem>>, vector<16xi32>,
      %get3A_262 = vector.shape_cast %get3A_261 : vector<16xi32> to vector<16xi32>
      %swap3A_263 = arith.constant 16 : index
      %swap3A_264 = tpu.vector_load %arg16[%swap3A_263] {strides = array<i32>} : memref<96xi32, #tpu.memory_space<vmem>>, vector<16xi32>,
      %swap3A_265 = vector.shape_cast %swap3A_264 : vector<16xi32> to vector<16xi32>
      %swap3A_266 = vector.shape_cast %get3A_262 : vector<16xi32> to vector<16xi32>
      tpu.vector_store %arg16[%swap3A_263], %swap3A_266 {strides = array<i32>} : memref<96xi32, #tpu.memory_space<vmem>>, vector<16xi32>,
      %get3A_267 = arith.constant 32 : index
      %get3A_268 = tpu.vector_load %arg14[%get3A_267] {strides = array<i32>} : memref<96xi32, #tpu.memory_space<vmem>>, vector<16xi32>,
      %get3A_269 = vector.shape_cast %get3A_268 : vector<16xi32> to vector<16xi32>
      %swap3A_270 = arith.constant 32 : index
      %swap3A_271 = tpu.vector_load %arg16[%swap3A_270] {strides = array<i32>} : memref<96xi32, #tpu.memory_space<vmem>>, vector<16xi32>,
      %swap3A_272 = vector.shape_cast %swap3A_271 : vector<16xi32> to vector<16xi32>
      %swap3A_273 = vector.shape_cast %get3A_269 : vector<16xi32> to vector<16xi32>
      tpu.vector_store %arg16[%swap3A_270], %swap3A_273 {strides = array<i32>} : memref<96xi32, #tpu.memory_space<vmem>>, vector<16xi32>,
      %get3A_274 = arith.constant 48 : index
      %get3A_275 = tpu.vector_load %arg14[%get3A_274] {strides = array<i32>} : memref<96xi32, #tpu.memory_space<vmem>>, vector<16xi32>,
      %get3A_276 = vector.shape_cast %get3A_275 : vector<16xi32> to vector<16xi32>
      %swap3A_277 = arith.constant 48 : index
      %swap3A_278 = tpu.vector_load %arg16[%swap3A_277] {strides = array<i32>} : memref<96xi32, #tpu.memory_space<vmem>>, vector<16xi32>,
      %swap3A_279 = vector.shape_cast %swap3A_278 : vector<16xi32> to vector<16xi32>
      %swap3A_280 = vector.shape_cast %get3A_276 : vector<16xi32> to vector<16xi32>
      tpu.vector_store %arg16[%swap3A_277], %swap3A_280 {strides = array<i32>} : memref<96xi32, #tpu.memory_space<vmem>>, vector<16xi32>,
      %get3A_281 = arith.constant 64 : index
      %get3A_282 = tpu.vector_load %arg14[%get3A_281] {strides = array<i32>} : memref<96xi32, #tpu.memory_space<vmem>>, vector<16xi32>,
      %get3A_283 = vector.shape_cast %get3A_282 : vector<16xi32> to vector<16xi32>
      %swap3A_284 = arith.constant 64 : index
      %swap3A_285 = tpu.vector_load %arg16[%swap3A_284] {strides = array<i32>} : memref<96xi32, #tpu.memory_space<vmem>>, vector<16xi32>,
      %swap3A_286 = vector.shape_cast %swap3A_285 : vector<16xi32> to vector<16xi32>
      %swap3A_287 = vector.shape_cast %get3A_283 : vector<16xi32> to vector<16xi32>
      tpu.vector_store %arg16[%swap3A_284], %swap3A_287 {strides = array<i32>} : memref<96xi32, #tpu.memory_space<vmem>>, vector<16xi32>,
      %get3A_288 = arith.constant 80 : index
      %get3A_289 = tpu.vector_load %arg14[%get3A_288] {strides = array<i32>} : memref<96xi32, #tpu.memory_space<vmem>>, vector<16xi32>,
      %get3A_290 = vector.shape_cast %get3A_289 : vector<16xi32> to vector<16xi32>
      %swap3A_291 = arith.constant 80 : index
      %swap3A_292 = tpu.vector_load %arg16[%swap3A_291] {strides = array<i32>} : memref<96xi32, #tpu.memory_space<vmem>>, vector<16xi32>,
      %swap3A_293 = vector.shape_cast %swap3A_292 : vector<16xi32> to vector<16xi32>
      %swap3A_294 = vector.shape_cast %get3A_290 : vector<16xi32> to vector<16xi32>
      tpu.vector_store %arg16[%swap3A_291], %swap3A_294 {strides = array<i32>} : memref<96xi32, #tpu.memory_space<vmem>>, vector<16xi32>,
      %add3A_295 = arith.constant 2 : i32
      %add3A_296 = arith.addi %add3A_235, %add3A_295 : i32
      %lt3A_297 = arith.constant 106 : i32
      %lt3A_298 = arith.cmpi slt, %add3A_296, %lt3A_297 : i32
      %convert_element_type3A_299 = arith.extui %lt3A_298 : i1 to i32
      %cond3A_300 = arith.constant 0 : i32
      %cond3A_301 = arith.cmpi ne, %convert_element_type3A_299, %cond3A_300 : i32
      scf.if %cond3A_301 {
        %add3A_313 = arith.constant 2 : i32
        %add3A_314 = arith.addi %add3A_235, %add3A_313 : i32
        %add3A_315 = arith.addi %mul3A_2, %add3A_314 : i32
        %mul3A_316 = arith.constant 96 : i32
        %mul3A_317 = arith.muli %add3A_315, %mul3A_316 : i32
        %dma_start3A_318 = tpu.memref_slice %arg4[%mul3A_317] : memref<325632xi32, #tpu.memory_space<hbm>> -> memref<96xi32, #tpu.memory_space<hbm>>
        %dma_start3A_319 = tpu.memref_slice %arg4[%mul3A_317] : memref<325632xi32, #tpu.memory_space<hbm>> -> memref<96xi32, #tpu.memory_space<hbm>>
        tpu.enqueue_dma source(%dma_start3A_319 : memref<96xi32, #tpu.memory_space<hbm>>) target(%arg12 : memref<96xi32, #tpu.memory_space<vmem>>) target_semaphore(%arg25 : memref<!tpu.dma_semaphore, #tpu.memory_space<semaphore_mem>>)
        %add3A_320 = arith.addi %mul3A_2, %add3A_314 : i32
        %mul3A_321 = arith.constant 96 : i32
        %mul3A_322 = arith.muli %add3A_320, %mul3A_321 : i32
        %dma_start3A_323 = tpu.memref_slice %arg5[%mul3A_322] : memref<325632xi32, #tpu.memory_space<hbm>> -> memref<96xi32, #tpu.memory_space<hbm>>
        %dma_start3A_324 = tpu.memref_slice %arg5[%mul3A_322] : memref<325632xi32, #tpu.memory_space<hbm>> -> memref<96xi32, #tpu.memory_space<hbm>>
        tpu.enqueue_dma source(%dma_start3A_324 : memref<96xi32, #tpu.memory_space<hbm>>) target(%arg14 : memref<96xi32, #tpu.memory_space<vmem>>) target_semaphore(%arg25 : memref<!tpu.dma_semaphore, #tpu.memory_space<semaphore_mem>>)
      } else {
      }
      %scan3A_302 = arith.constant 0 : i32
      %scan3A_303 = arith.constant 0 : i32
      %scan3A_304 = arith.constant 96 : i32
      %scan3A_305 = arith.addi %scan3A_303, %scan3A_304 : i32
      %scan3A_306 = arith.constant 1 : i32
      %scan3A_307 = scf.for %scan3A_313 = %scan3A_303 to %scan3A_305 step %scan3A_306 iter_args(%scan3A_314 = %scan3A_302) -> (i32)  : i32 {
        %get3A_315 = arith.index_cast %scan3A_313 : i32 to index
        %get3A_316 = arith.constant 0 : index
        %get3A_317 = tpu.vector_load %arg8[%get3A_315, %get3A_316] {strides = array<i32>} : memref<96x128xf32, #tpu.memory_space<vmem>>, vector<1x16xf32>,
        %get3A_318 = vector.shape_cast %get3A_317 : vector<1x16xf32> to vector<16xf32>
        %get3A_319 = arith.index_cast %scan3A_313 : i32 to index
        %get3A_320 = arith.constant 0 : index
        %get3A_321 = tpu.vector_load %arg10[%get3A_319, %get3A_320] {strides = array<i32>} : memref<96x128xf32, #tpu.memory_space<vmem>>, vector<1x16xf32>,
        %get3A_322 = vector.shape_cast %get3A_321 : vector<1x16xf32> to vector<16xf32>
        %mul3A_323 = arith.mulf %get3A_318, %get3A_322 : vector<16xf32>
        %swap3A_324 = arith.index_cast %scan3A_313 : i32 to index
        %swap3A_325 = arith.constant 0 : index
        %swap3A_326 = tpu.vector_load %arg8[%swap3A_324, %swap3A_325] {strides = array<i32>} : memref<96x128xf32, #tpu.memory_space<vmem>>, vector<1x16xf32>,
        %swap3A_327 = vector.shape_cast %swap3A_326 : vector<1x16xf32> to vector<16xf32>
        %swap3A_328 = vector.shape_cast %mul3A_323 : vector<16xf32> to vector<1x16xf32>
        tpu.vector_store %arg8[%swap3A_324, %swap3A_325], %swap3A_328 {strides = array<i32>} : memref<96x128xf32, #tpu.memory_space<vmem>>, vector<1x16xf32>,
        %get3A_329 = arith.index_cast %scan3A_313 : i32 to index
        %get3A_330 = arith.constant 16 : index
        %get3A_331 = tpu.vector_load %arg8[%get3A_329, %get3A_330] {strides = array<i32>} : memref<96x128xf32, #tpu.memory_space<vmem>>, vector<1x16xf32>,
        %get3A_332 = vector.shape_cast %get3A_331 : vector<1x16xf32> to vector<16xf32>
        %get3A_333 = arith.index_cast %scan3A_313 : i32 to index
        %get3A_334 = arith.constant 16 : index
        %get3A_335 = tpu.vector_load %arg10[%get3A_333, %get3A_334] {strides = array<i32>} : memref<96x128xf32, #tpu.memory_space<vmem>>, vector<1x16xf32>,
        %get3A_336 = vector.shape_cast %get3A_335 : vector<1x16xf32> to vector<16xf32>
        %mul3A_337 = arith.mulf %get3A_332, %get3A_336 : vector<16xf32>
        %swap3A_338 = arith.index_cast %scan3A_313 : i32 to index
        %swap3A_339 = arith.constant 16 : index
        %swap3A_340 = tpu.vector_load %arg8[%swap3A_338, %swap3A_339] {strides = array<i32>} : memref<96x128xf32, #tpu.memory_space<vmem>>, vector<1x16xf32>,
        %swap3A_341 = vector.shape_cast %swap3A_340 : vector<1x16xf32> to vector<16xf32>
        %swap3A_342 = vector.shape_cast %mul3A_337 : vector<16xf32> to vector<1x16xf32>
        tpu.vector_store %arg8[%swap3A_338, %swap3A_339], %swap3A_342 {strides = array<i32>} : memref<96x128xf32, #tpu.memory_space<vmem>>, vector<1x16xf32>,
        %get3A_343 = arith.index_cast %scan3A_313 : i32 to index
        %get3A_344 = arith.constant 32 : index
        %get3A_345 = tpu.vector_load %arg8[%get3A_343, %get3A_344] {strides = array<i32>} : memref<96x128xf32, #tpu.memory_space<vmem>>, vector<1x16xf32>,
        %get3A_346 = vector.shape_cast %get3A_345 : vector<1x16xf32> to vector<16xf32>
        %get3A_347 = arith.index_cast %scan3A_313 : i32 to index
        %get3A_348 = arith.constant 32 : index
        %get3A_349 = tpu.vector_load %arg10[%get3A_347, %get3A_348] {strides = array<i32>} : memref<96x128xf32, #tpu.memory_space<vmem>>, vector<1x16xf32>,
        %get3A_350 = vector.shape_cast %get3A_349 : vector<1x16xf32> to vector<16xf32>
        %mul3A_351 = arith.mulf %get3A_346, %get3A_350 : vector<16xf32>
        %swap3A_352 = arith.index_cast %scan3A_313 : i32 to index
        %swap3A_353 = arith.constant 32 : index
        %swap3A_354 = tpu.vector_load %arg8[%swap3A_352, %swap3A_353] {strides = array<i32>} : memref<96x128xf32, #tpu.memory_space<vmem>>, vector<1x16xf32>,
        %swap3A_355 = vector.shape_cast %swap3A_354 : vector<1x16xf32> to vector<16xf32>
        %swap3A_356 = vector.shape_cast %mul3A_351 : vector<16xf32> to vector<1x16xf32>
        tpu.vector_store %arg8[%swap3A_352, %swap3A_353], %swap3A_356 {strides = array<i32>} : memref<96x128xf32, #tpu.memory_space<vmem>>, vector<1x16xf32>,
        %get3A_357 = arith.index_cast %scan3A_313 : i32 to index
        %get3A_358 = arith.constant 48 : index
        %get3A_359 = tpu.vector_load %arg8[%get3A_357, %get3A_358] {strides = array<i32>} : memref<96x128xf32, #tpu.memory_space<vmem>>, vector<1x16xf32>,
        %get3A_360 = vector.shape_cast %get3A_359 : vector<1x16xf32> to vector<16xf32>
        %get3A_361 = arith.index_cast %scan3A_313 : i32 to index
        %get3A_362 = arith.constant 48 : index
        %get3A_363 = tpu.vector_load %arg10[%get3A_361, %get3A_362] {strides = array<i32>} : memref<96x128xf32, #tpu.memory_space<vmem>>, vector<1x16xf32>,
        %get3A_364 = vector.shape_cast %get3A_363 : vector<1x16xf32> to vector<16xf32>
        %mul3A_365 = arith.mulf %get3A_360, %get3A_364 : vector<16xf32>
        %swap3A_366 = arith.index_cast %scan3A_313 : i32 to index
        %swap3A_367 = arith.constant 48 : index
        %swap3A_368 = tpu.vector_load %arg8[%swap3A_366, %swap3A_367] {strides = array<i32>} : memref<96x128xf32, #tpu.memory_space<vmem>>, vector<1x16xf32>,
        %swap3A_369 = vector.shape_cast %swap3A_368 : vector<1x16xf32> to vector<16xf32>
        %swap3A_370 = vector.shape_cast %mul3A_365 : vector<16xf32> to vector<1x16xf32>
        tpu.vector_store %arg8[%swap3A_366, %swap3A_367], %swap3A_370 {strides = array<i32>} : memref<96x128xf32, #tpu.memory_space<vmem>>, vector<1x16xf32>,
        %get3A_371 = arith.index_cast %scan3A_313 : i32 to index
        %get3A_372 = arith.constant 64 : index
        %get3A_373 = tpu.vector_load %arg8[%get3A_371, %get3A_372] {strides = array<i32>} : memref<96x128xf32, #tpu.memory_space<vmem>>, vector<1x16xf32>,
        %get3A_374 = vector.shape_cast %get3A_373 : vector<1x16xf32> to vector<16xf32>
        %get3A_375 = arith.index_cast %scan3A_313 : i32 to index
        %get3A_376 = arith.constant 64 : index
        %get3A_377 = tpu.vector_load %arg10[%get3A_375, %get3A_376] {strides = array<i32>} : memref<96x128xf32, #tpu.memory_space<vmem>>, vector<1x16xf32>,
        %get3A_378 = vector.shape_cast %get3A_377 : vector<1x16xf32> to vector<16xf32>
        %mul3A_379 = arith.mulf %get3A_374, %get3A_378 : vector<16xf32>
        %swap3A_380 = arith.index_cast %scan3A_313 : i32 to index
        %swap3A_381 = arith.constant 64 : index
        %swap3A_382 = tpu.vector_load %arg8[%swap3A_380, %swap3A_381] {strides = array<i32>} : memref<96x128xf32, #tpu.memory_space<vmem>>, vector<1x16xf32>,
        %swap3A_383 = vector.shape_cast %swap3A_382 : vector<1x16xf32> to vector<16xf32>
        %swap3A_384 = vector.shape_cast %mul3A_379 : vector<16xf32> to vector<1x16xf32>
        tpu.vector_store %arg8[%swap3A_380, %swap3A_381], %swap3A_384 {strides = array<i32>} : memref<96x128xf32, #tpu.memory_space<vmem>>, vector<1x16xf32>,
        %get3A_385 = arith.index_cast %scan3A_313 : i32 to index
        %get3A_386 = arith.constant 80 : index
        %get3A_387 = tpu.vector_load %arg8[%get3A_385, %get3A_386] {strides = array<i32>} : memref<96x128xf32, #tpu.memory_space<vmem>>, vector<1x16xf32>,
        %get3A_388 = vector.shape_cast %get3A_387 : vector<1x16xf32> to vector<16xf32>
        %get3A_389 = arith.index_cast %scan3A_313 : i32 to index
        %get3A_390 = arith.constant 80 : index
        %get3A_391 = tpu.vector_load %arg10[%get3A_389, %get3A_390] {strides = array<i32>} : memref<96x128xf32, #tpu.memory_space<vmem>>, vector<1x16xf32>,
        %get3A_392 = vector.shape_cast %get3A_391 : vector<1x16xf32> to vector<16xf32>
        %mul3A_393 = arith.mulf %get3A_388, %get3A_392 : vector<16xf32>
        %swap3A_394 = arith.index_cast %scan3A_313 : i32 to index
        %swap3A_395 = arith.constant 80 : index
        %swap3A_396 = tpu.vector_load %arg8[%swap3A_394, %swap3A_395] {strides = array<i32>} : memref<96x128xf32, #tpu.memory_space<vmem>>, vector<1x16xf32>,
        %swap3A_397 = vector.shape_cast %swap3A_396 : vector<1x16xf32> to vector<16xf32>
        %swap3A_398 = vector.shape_cast %mul3A_393 : vector<16xf32> to vector<1x16xf32>
        tpu.vector_store %arg8[%swap3A_394, %swap3A_395], %swap3A_398 {strides = array<i32>} : memref<96x128xf32, #tpu.memory_space<vmem>>, vector<1x16xf32>,
        %get3A_399 = arith.index_cast %scan3A_313 : i32 to index
        %get3A_400 = arith.constant 96 : index
        %get3A_401 = tpu.vector_load %arg8[%get3A_399, %get3A_400] {strides = array<i32>} : memref<96x128xf32, #tpu.memory_space<vmem>>, vector<1x16xf32>,
        %get3A_402 = vector.shape_cast %get3A_401 : vector<1x16xf32> to vector<16xf32>
        %get3A_403 = arith.index_cast %scan3A_313 : i32 to index
        %get3A_404 = arith.constant 96 : index
        %get3A_405 = tpu.vector_load %arg10[%get3A_403, %get3A_404] {strides = array<i32>} : memref<96x128xf32, #tpu.memory_space<vmem>>, vector<1x16xf32>,
        %get3A_406 = vector.shape_cast %get3A_405 : vector<1x16xf32> to vector<16xf32>
        %mul3A_407 = arith.mulf %get3A_402, %get3A_406 : vector<16xf32>
        %swap3A_408 = arith.index_cast %scan3A_313 : i32 to index
        %swap3A_409 = arith.constant 96 : index
        %swap3A_410 = tpu.vector_load %arg8[%swap3A_408, %swap3A_409] {strides = array<i32>} : memref<96x128xf32, #tpu.memory_space<vmem>>, vector<1x16xf32>,
        %swap3A_411 = vector.shape_cast %swap3A_410 : vector<1x16xf32> to vector<16xf32>
        %swap3A_412 = vector.shape_cast %mul3A_407 : vector<16xf32> to vector<1x16xf32>
        tpu.vector_store %arg8[%swap3A_408, %swap3A_409], %swap3A_412 {strides = array<i32>} : memref<96x128xf32, #tpu.memory_space<vmem>>, vector<1x16xf32>,
        %get3A_413 = arith.index_cast %scan3A_313 : i32 to index
        %get3A_414 = arith.constant 112 : index
        %get3A_415 = tpu.vector_load %arg8[%get3A_413, %get3A_414] {strides = array<i32>} : memref<96x128xf32, #tpu.memory_space<vmem>>, vector<1x16xf32>,
        %get3A_416 = vector.shape_cast %get3A_415 : vector<1x16xf32> to vector<16xf32>
        %get3A_417 = arith.index_cast %scan3A_313 : i32 to index
        %get3A_418 = arith.constant 112 : index
        %get3A_419 = tpu.vector_load %arg10[%get3A_417, %get3A_418] {strides = array<i32>} : memref<96x128xf32, #tpu.memory_space<vmem>>, vector<1x16xf32>,
        %get3A_420 = vector.shape_cast %get3A_419 : vector<1x16xf32> to vector<16xf32>
        %mul3A_421 = arith.mulf %get3A_416, %get3A_420 : vector<16xf32>
        %swap3A_422 = arith.index_cast %scan3A_313 : i32 to index
        %swap3A_423 = arith.constant 112 : index
        %swap3A_424 = tpu.vector_load %arg8[%swap3A_422, %swap3A_423] {strides = array<i32>} : memref<96x128xf32, #tpu.memory_space<vmem>>, vector<1x16xf32>,
        %swap3A_425 = vector.shape_cast %swap3A_424 : vector<1x16xf32> to vector<16xf32>
        %swap3A_426 = vector.shape_cast %mul3A_421 : vector<16xf32> to vector<1x16xf32>
        tpu.vector_store %arg8[%swap3A_422, %swap3A_423], %swap3A_426 {strides = array<i32>} : memref<96x128xf32, #tpu.memory_space<vmem>>, vector<1x16xf32>,
        %scan3A_427 = arith.constant 0 : i32
        scf.yield %scan3A_427 : i32
      }
      %scan3A_308 = arith.constant 96 : i32
      %dma_start3A_309 = arith.constant 0 : i32
      %dma_start3A_310 = arith.constant 0 : i32
      %dma_start3A_311 = tpu.memref_slice %arg17[%dma_start3A_309, %dma_start3A_310] : memref<10112x128xf32, #tpu.memory_space<vmem_shared>> -> memref<10112x128xf32, #tpu.memory_space<vmem_shared>>
      tpu.enqueue_indirect_dma source(%arg8 : memref<96x128xf32, #tpu.memory_space<vmem>>) target(%dma_start3A_311 : memref<10112x128xf32, #tpu.memory_space<vmem_shared>>) offsets(%arg16 : memref<96xi32, #tpu.memory_space<vmem>>) semaphore(%arg23 : memref<!tpu.dma_semaphore, #tpu.memory_space<semaphore_mem>>) {add = true}
      %scan3A_312 = arith.constant 0 : i32
      scf.yield %scan3A_312 : i32
    }
    %scan3A_145 = arith.constant 53 : i32
    %dma_wait3A_146 = arith.constant 0 : i32
    %dma_wait3A_147 = arith.constant 0 : i32
    %dma_wait3A_148 = tpu.memref_slice %arg17[%dma_wait3A_146, %dma_wait3A_147] : memref<10112x128xf32, #tpu.memory_space<vmem_shared>> -> memref<10112x128xf32, #tpu.memory_space<vmem_shared>>
    tpu.wait_indirect_dma semaphore(%arg22 : memref<!tpu.dma_semaphore, #tpu.memory_space<semaphore_mem>>) src(%arg7 : memref<96x128xf32, #tpu.memory_space<vmem>>) dst(%dma_wait3A_148 : memref<10112x128xf32, #tpu.memory_space<vmem_shared>>)
    %dma_wait3A_149 = arith.constant 0 : i32
    %dma_wait3A_150 = arith.constant 0 : i32
    %dma_wait3A_151 = tpu.memref_slice %arg17[%dma_wait3A_149, %dma_wait3A_150] : memref<10112x128xf32, #tpu.memory_space<vmem_shared>> -> memref<10112x128xf32, #tpu.memory_space<vmem_shared>>
    tpu.wait_indirect_dma semaphore(%arg23 : memref<!tpu.dma_semaphore, #tpu.memory_space<semaphore_mem>>) src(%arg8 : memref<96x128xf32, #tpu.memory_space<vmem>>) dst(%dma_wait3A_151 : memref<10112x128xf32, #tpu.memory_space<vmem_shared>>)
    %barrier3A_152 = arith.constant 0 : index
    tpu.barrier barrier_id(%barrier3A_152)
    %mul3A_153 = arith.constant 632 : i32
    %mul3A_154 = arith.muli %arg1, %mul3A_153 : i32
    "tpu.region"() ({
      %run_scoped3A = tpu.sem_alloc : memref<!tpu.dma_semaphore, #tpu.memory_space<semaphore_mem>>
      %dma_start3A_155 = arith.constant 0 : i32
      %dma_start3A_156 = tpu.memref_slice %arg6[%arg0, %mul3A_154, %dma_start3A_155] : memref<2x10112x128xf32, #tpu.memory_space<hbm>> -> memref<1x632x128xf32, #tpu.memory_space<hbm>>
      %dma_start3A_157 = tpu.memref_squeeze %dma_start3A_156 : memref<1x632x128xf32, #tpu.memory_space<hbm>> -> memref<632x128xf32, #tpu.memory_space<hbm>>
      %dma_start3A_158 = arith.constant 0 : i32
      %dma_start3A_159 = tpu.memref_slice %arg17[%mul3A_154, %dma_start3A_158] : memref<10112x128xf32, #tpu.memory_space<vmem_shared>> -> memref<632x128xf32, #tpu.memory_space<vmem_shared>>
      tpu.enqueue_dma source(%dma_start3A_159 : memref<632x128xf32, #tpu.memory_space<vmem_shared>>) target(%dma_start3A_157 : memref<632x128xf32, #tpu.memory_space<hbm>>) target_semaphore(%run_scoped3A : memref<!tpu.dma_semaphore, #tpu.memory_space<semaphore_mem>>)
      %dma_wait3A_160 = arith.constant 0 : i32
      %dma_wait3A_161 = tpu.memref_slice %arg6[%arg0, %mul3A_154, %dma_wait3A_160] : memref<2x10112x128xf32, #tpu.memory_space<hbm>> -> memref<1x632x128xf32, #tpu.memory_space<hbm>>
      %dma_wait3A_162 = tpu.memref_squeeze %dma_wait3A_161 : memref<1x632x128xf32, #tpu.memory_space<hbm>> -> memref<632x128xf32, #tpu.memory_space<hbm>>
      %dma_wait3A_163 = arith.constant 0 : i32
      %dma_wait3A_164 = tpu.memref_slice %arg17[%mul3A_154, %dma_wait3A_163] : memref<10112x128xf32, #tpu.memory_space<vmem_shared>> -> memref<632x128xf32, #tpu.memory_space<vmem_shared>>
      tpu.wait_dma2 semaphore(%run_scoped3A : memref<!tpu.dma_semaphore, #tpu.memory_space<semaphore_mem>>) src(%dma_wait3A_164 : memref<632x128xf32, #tpu.memory_space<vmem_shared>>) dst(%dma_wait3A_162 : memref<632x128xf32, #tpu.memory_space<hbm>>)
      tpu.yield
    }) : () -> ()
    return
  }
}

module attributes {stable_mosaic.version = 14 : i64} {
  func.func @_h_body(%arg0: memref<10000x128xf32, #tpu.memory_space<vmem>>, %arg1: memref<128x128xf32, #tpu.memory_space<vmem>>, %arg2: memref<10000x128xf32, #tpu.memory_space<vmem>>) attributes {dimension_semantics = [], scalar_prefetch = 0 : i64, scratch_operands = 0 : i64, tpu.core_type = #tpu.core_type<tc>} {
    %get3A = arith.constant 0 : index
    %get3A_0 = arith.constant 0 : index
    %get3A_1 = vector.load %arg0[%get3A, %get3A_0] : memref<10000x128xf32, #tpu.memory_space<vmem>>, vector<10000x128xf32>
    %get3A_2 = arith.constant 0 : index
    %get3A_3 = arith.constant 0 : index
    %get3A_4 = vector.load %arg1[%get3A_2, %get3A_3] : memref<128x128xf32, #tpu.memory_space<vmem>>, vector<128x128xf32>
    %dot_general3A = arith.constant dense<0.000000e+00> : vector<10000x128xf32>
    %dot_general3A_5 = tpu.matmul %get3A_1, %get3A_4, %dot_general3A {dimension_numbers = #tpu.dot_dimension_numbers<[1], [0], [0], [1], [0, 0, 1, 1], [], []>, transpose_lhs_hint = false} : vector<10000x128xf32>, vector<128x128xf32>, vector<10000x128xf32> -> vector<10000x128xf32>
    %max3A = arith.constant 0.000000e+00 : f32
    %max3A_6 = vector.broadcast %max3A : f32 to vector<10000x128xf32>
    %max3A_7 = arith.maximumf %dot_general3A_5, %max3A_6 : vector<10000x128xf32>
    %swap3A = arith.constant 0 : index
    %swap3A_8 = arith.constant 0 : index
    %swap3A_9 = vector.load %arg2[%swap3A, %swap3A_8] : memref<10000x128xf32, #tpu.memory_space<vmem>>, vector<10000x128xf32>
    tpu.vector_store %arg2[%swap3A, %swap3A_8], %max3A_7 {strides = array<i32>} : memref<10000x128xf32, #tpu.memory_space<vmem>>, vector<10000x128xf32>,
    return
  }
}

module attributes {stable_mosaic.version = 14 : i64} {
  func.func @_gate_body(%arg0: i32, %arg1: memref<3072x16xf32, #tpu.memory_space<vmem>>, %arg2: memref<16x128xf32, #tpu.memory_space<vmem>>, %arg3: memref<3072x128xf32, #tpu.memory_space<vmem>>) attributes {dimension_semantics = [#tpu.dimension_semantics<arbitrary>], iteration_bounds = array<i64: 106>, scalar_prefetch = 0 : i64, scratch_operands = 0 : i64, tpu.core_type = #tpu.core_type<tc>, window_params = [{transform_indices = @transform_0, window_bounds = array<i64: 3072, 16>}, {pipeline_mode = #tpu.pipeline_mode<synchronous>, transform_indices = @transform_1, window_bounds = array<i64: 16, 128>}, {transform_indices = @transform_2, window_bounds = array<i64: 3072, 128>}]} {
    %get3A = arith.constant 0 : index
    %get3A_0 = arith.constant 0 : index
    %get3A_1 = vector.load %arg1[%get3A, %get3A_0] : memref<3072x16xf32, #tpu.memory_space<vmem>>, vector<3072x16xf32>
    %get3A_2 = arith.constant 0 : index
    %get3A_3 = arith.constant 0 : index
    %get3A_4 = vector.load %arg2[%get3A_2, %get3A_3] : memref<16x128xf32, #tpu.memory_space<vmem>>, vector<16x128xf32>
    %dot_general3A = arith.constant dense<0.000000e+00> : vector<3072x128xf32>
    %dot_general3A_5 = tpu.matmul %get3A_1, %get3A_4, %dot_general3A {dimension_numbers = #tpu.dot_dimension_numbers<[1], [0], [0], [1], [0, 0, 1, 1], [], []>, transpose_lhs_hint = false} : vector<3072x16xf32>, vector<16x128xf32>, vector<3072x128xf32> -> vector<3072x128xf32>
    %logistic3A = arith.negf %dot_general3A_5 : vector<3072x128xf32>
    %logistic3A_6 = math.exp %logistic3A : vector<3072x128xf32>
    %logistic3A_7 = arith.constant 1.000000e+00 : f32
    %logistic3A_8 = vector.broadcast %logistic3A_7 : f32 to vector<3072x128xf32>
    %logistic3A_9 = arith.addf %logistic3A_8, %logistic3A_6 : vector<3072x128xf32>
    %logistic3A_10 = arith.divf %logistic3A_8, %logistic3A_9 : vector<3072x128xf32>
    %swap3A = arith.constant 0 : index
    %swap3A_11 = arith.constant 0 : index
    %swap3A_12 = vector.load %arg3[%swap3A, %swap3A_11] : memref<3072x128xf32, #tpu.memory_space<vmem>>, vector<3072x128xf32>
    tpu.vector_store %arg3[%swap3A, %swap3A_11], %logistic3A_10 {strides = array<i32>} : memref<3072x128xf32, #tpu.memory_space<vmem>>, vector<3072x128xf32>,
    return
  }
  func.func @transform_0(%arg0: i32) -> (i32, i32) {
    %c0_i32 = arith.constant 0 : i32
    %c0_i32_0 = arith.constant 0 : i32
    return %arg0, %c0_i32 : i32, i32
  }
  func.func @transform_1(%arg0: i32) -> (i32, i32) {
    %c0_i32 = arith.constant 0 : i32
    %c0_i32_0 = arith.constant 0 : i32
    %c0_i32_1 = arith.constant 0 : i32
    return %c0_i32, %c0_i32_0 : i32, i32
  }
  func.func @transform_2(%arg0: i32) -> (i32, i32) {
    %c0_i32 = arith.constant 0 : i32
    %c0_i32_0 = arith.constant 0 : i32
    return %arg0, %c0_i32 : i32, i32
  }
}

module attributes {stable_mosaic.version = 14 : i64} {
  func.func @_heads_body(%arg0: memref<10000x128xf32, #tpu.memory_space<vmem>>, %arg1: memref<2x10112x128xf32, #tpu.memory_space<vmem>>, %arg2: memref<128x128xf32, #tpu.memory_space<vmem>>, %arg3: memref<128x2xf32, #tpu.memory_space<vmem>>, %arg4: memref<128x4xf32, #tpu.memory_space<vmem>>, %arg5: memref<10000x2xf32, #tpu.memory_space<vmem>>, %arg6: memref<10000x4xf32, #tpu.memory_space<vmem>>) attributes {dimension_semantics = [], scalar_prefetch = 0 : i64, scratch_operands = 0 : i64, tpu.core_type = #tpu.core_type<tc>} {
    %get3A = arith.constant 0 : index
    %get3A_0 = arith.constant 0 : index
    %get3A_1 = arith.constant 0 : index
    %get3A_2 = vector.load %arg1[%get3A, %get3A_0, %get3A_1] : memref<2x10112x128xf32, #tpu.memory_space<vmem>>, vector<1x10000x128xf32>
    %get3A_3 = vector.shape_cast %get3A_2 : vector<1x10000x128xf32> to vector<10000x128xf32>
    %get3A_4 = arith.constant 1 : index
    %get3A_5 = arith.constant 0 : index
    %get3A_6 = arith.constant 0 : index
    %get3A_7 = vector.load %arg1[%get3A_4, %get3A_5, %get3A_6] : memref<2x10112x128xf32, #tpu.memory_space<vmem>>, vector<1x10000x128xf32>
    %get3A_8 = vector.shape_cast %get3A_7 : vector<1x10000x128xf32> to vector<10000x128xf32>
    %add3A = arith.addf %get3A_3, %get3A_8 : vector<10000x128xf32>
    %get3A_9 = arith.constant 0 : index
    %get3A_10 = arith.constant 0 : index
    %get3A_11 = vector.load %arg0[%get3A_9, %get3A_10] : memref<10000x128xf32, #tpu.memory_space<vmem>>, vector<10000x128xf32>
    %get3A_12 = arith.constant 0 : index
    %get3A_13 = arith.constant 0 : index
    %get3A_14 = vector.load %arg2[%get3A_12, %get3A_13] : memref<128x128xf32, #tpu.memory_space<vmem>>, vector<128x128xf32>
    %dot_general3A = arith.constant dense<0.000000e+00> : vector<10000x128xf32>
    %dot_general3A_15 = tpu.matmul %add3A, %get3A_14, %dot_general3A {dimension_numbers = #tpu.dot_dimension_numbers<[1], [0], [0], [1], [0, 0, 1, 1], [], []>, transpose_lhs_hint = false} : vector<10000x128xf32>, vector<128x128xf32>, vector<10000x128xf32> -> vector<10000x128xf32>
    %add3A_16 = arith.addf %get3A_11, %dot_general3A_15 : vector<10000x128xf32>
    %max3A = arith.constant 0.000000e+00 : f32
    %max3A_17 = vector.broadcast %max3A : f32 to vector<10000x128xf32>
    %max3A_18 = arith.maximumf %add3A_16, %max3A_17 : vector<10000x128xf32>
    %get3A_19 = arith.constant 0 : index
    %get3A_20 = arith.constant 0 : index
    %get3A_21 = vector.load %arg3[%get3A_19, %get3A_20] : memref<128x2xf32, #tpu.memory_space<vmem>>, vector<128x2xf32>
    %dot_general3A_22 = arith.constant dense<0.000000e+00> : vector<10000x2xf32>
    %dot_general3A_23 = tpu.matmul %max3A_18, %get3A_21, %dot_general3A_22 {dimension_numbers = #tpu.dot_dimension_numbers<[1], [0], [0], [1], [0, 0, 1, 1], [], []>, transpose_lhs_hint = false} : vector<10000x128xf32>, vector<128x2xf32>, vector<10000x2xf32> -> vector<10000x2xf32>
    %swap3A = arith.constant 0 : index
    %swap3A_24 = arith.constant 0 : index
    %swap3A_25 = vector.load %arg5[%swap3A, %swap3A_24] : memref<10000x2xf32, #tpu.memory_space<vmem>>, vector<10000x2xf32>
    tpu.vector_store %arg5[%swap3A, %swap3A_24], %dot_general3A_23 {strides = array<i32>} : memref<10000x2xf32, #tpu.memory_space<vmem>>, vector<10000x2xf32>,
    %get3A_26 = arith.constant 0 : index
    %get3A_27 = arith.constant 0 : index
    %get3A_28 = vector.load %arg4[%get3A_26, %get3A_27] : memref<128x4xf32, #tpu.memory_space<vmem>>, vector<128x4xf32>
    %dot_general3A_29 = arith.constant dense<0.000000e+00> : vector<10000x4xf32>
    %dot_general3A_30 = tpu.matmul %max3A_18, %get3A_28, %dot_general3A_29 {dimension_numbers = #tpu.dot_dimension_numbers<[1], [0], [0], [1], [0, 0, 1, 1], [], []>, transpose_lhs_hint = false} : vector<10000x128xf32>, vector<128x4xf32>, vector<10000x4xf32> -> vector<10000x4xf32>
    %swap3A_31 = arith.constant 0 : index
    %swap3A_32 = arith.constant 0 : index
    %swap3A_33 = vector.load %arg6[%swap3A_31, %swap3A_32] : memref<10000x4xf32, #tpu.memory_space<vmem>>, vector<10000x4xf32>
    tpu.vector_store %arg6[%swap3A_31, %swap3A_32], %dot_general3A_30 {strides = array<i32>} : memref<10000x4xf32, #tpu.memory_space<vmem>>, vector<10000x4xf32>,
    return
  }
}

</mosaic_0001>

<sc_bundles>
// kernel: kernel.10.cloned.1.call-start
scs
__scs_entry_jumppad:
0x0: {  	(pc) =	sbr.rel $0x88, $3  }
0x1: {  	(tag) =	ssettag $0x0;
	lr =	simm.s32 $0x1  }
0x2: {  	[smem:$0x3F99] =	sst lr;
	_ =	strace $0xD0000000  }
0x3: {  	_ = 	snop  }
0x4: {  	_ = 	snop  }
0x5: {  	_ = 	snop  }
0x6: {  	_ = 	snop  }
0x7: {  	_ = 	snop  }
__scs_overlays_trampoline_lowered:
0x8: {  	[smem:$0x3FA8] =	sst s0  }
0x9: {  	[smem:$0x3FA9] =	sst s1  }
0xa: {  	[smem:$0x3FAA] =	sst s2  }
0xb: {  	[smem:$0x3FAB] =	sst s3  }
0xc: {  	[smem:$0x3FAC] =	sst s4  }
0xd: {  	[smem:$0x3FAD] =	sst s5  }
0xe: {  	[smem:$0x3FAE] =	sst s6  }
0xf: {  	[smem:$0x3FAF] =	sst s7  }
0x10: {  	[smem:$0x3FB0] =	sst s8  }
0x11: {  	[smem:$0x3FB1] =	sst s9;
	s0 =	simm.s32 @!p0 $0x0  }
0x12: {  	s1 =	sld [smem:$0x3F97];
	s0 =	simm.s32 @p0 $0x1  }
0x13: {  	[smem:$0x3FB2] =	sst s0;
	s0 =	simm.s32 @!p1 $0x0  }
0x14: {  	s2 =	sld [smem:$0x3F96];
	s0 =	simm.s32 @p1 $0x1  }
0x15: {  	[smem:$0x3FB3] =	sst s0;
	s0 =	simm.s32 @!p2 $0x0  }
0x16: {  	s3 =	sld [smem:$0x3FDB];
	s0 =	simm.s32 @p2 $0x1  }
0x17: {  	s4 =	simm.s32 $0x1BF5;
	[smem:$0x3FB5] =	sst s0  }
0x18: {  	s0 =	sld [smem:$0x3F98];
	_ =	swait.ge [sflag:s4], $0x0  }
0x19: {  	s7 =	sld [smem:$0x3F99]  }
0x1a: {  	s8 =	sadd.s32 $0xFFFFE003, lr  }
0x1b: {  	s9 =	sadd.s32 $0xFFFFFEF7, lr;
	s5 =	simm.s32 $0xFFFFFFFF;
	p2 =	slt.u32 s8, $0xFFFFF086  }
0x1c: {  	p1 =	slt.u32 s9, $0xF7A;
	s5 =	simm.s32 @!p2 $0x0  }
0x1d: {  	s5 =	simm.s32 @p1 $0x1;
	p0 =	seq.s32 s7, s2  }
0x1e: {  	s7 =	smul.u32 @!p0 $0xF7A, s2;
	p2 =	seq.s32 @!p0 s5, $0x0  }
0x1f: {  	s9 =	smul.u32 $0xF7A, s1;
	s8 =	simm.s32 @!p0 $0x1BF5;
	p2 =	por !p2, p0  }
0x20: {  	[sflag:s8] =	ssyncset.s32 @!p0 $0xFFFFF086;
	s6 =	sadd.s32 @!p0 s3, s7;
	s7 =	simm.s32 @!p0 $0x108  }
0x21: {  	s3 =	sadd.s32 s3, s9;
	s6 =	sadd.s32 @!p0 $0x88, s6;
	s7 =	simm.s32 @p2 $0x1082  }
0x22: {  	[simem:s7], [sflag:s8] =	dma.local @!p0 [hbm:s6], $0xF7A  }
0x23: {  	s9 =	sor.u32 $0xD0000000, s2;
	s6 =	simm.s32 $0x108;
	_ =	swait.ge @!p0 [sflag:s8], $0x0  }
0x24: {  	s3 =	sadd.s32 $0x88, s3;
	s6 =	simm.s32 @!p1 $0x1082;
	[sflag:s4] =	ssyncset.s32 $0xFFFFF086  }
0x25: {  	[simem:s6], [sflag:s4] =	dma.local [hbm:s3], $0xF7A  }
0x26: {  	[smem:$0x3F99] =	sst s1;
	(tag) =	ssettag s2;
	_ =	strace s9  }
0x27: {  	s1 =	sld [smem:$0x3FA9]  }
0x28: {  	s2 =	sld [smem:$0x3FAA]  }
0x29: {  	s4 =	sld [smem:$0x3FAC]  }
0x2a: {  	p0 =	seq.s32 s5, $0x0;
	s5 =	sld [smem:$0x3FAD]  }
0x2b: {  	s6 =	sld [smem:$0x3FAE]  }
0x2c: {  	s7 =	sld [smem:$0x3FAF]  }
0x2d: {  	s3 =	simm.s32 $0x108;
	s8 =	sld [smem:$0x3FB0]  }
0x2e: {  	s3 =	simm.s32 @!p0 $0x1082;
	s9 =	sld [smem:$0x3FB1]  }
0x2f: {  	lr =	sadd.s32 s0, s3;
	s0 =	sld [smem:$0x3FA8]  }
0x30: {  	s3 =	sld [smem:$0x3FAB]  }
0x31: {  	[smem:$0x3FB4] =	sst s10  }
0x32: {  	s10 =	sld [smem:$0x3FB2];
	_ =	sdelay $0x3  }
0x33: {  	p0 =	seq.s32 s10, $0x1;
	s10 =	sld [smem:$0x3FB4];
	_ =	sdelay $0x3  }
0x34: {  	[smem:$0x3FB4] =	sst s10  }
0x35: {  	s10 =	sld [smem:$0x3FB3];
	_ =	sdelay $0x3  }
0x36: {  	p1 =	seq.s32 s10, $0x1;
	s10 =	sld [smem:$0x3FB4];
	_ =	sdelay $0x3  }
0x37: {  	[smem:$0x3FB4] =	sst s10  }
0x38: {  	s10 =	sld [smem:$0x3FB5]  }
0x39: {  	_ = 	snop;
	(pc) =	sbr.ind lr, $3  }
0x3a: {  	_ = 	snop  }
0x3b: {  	_ = 	snop  }
0x3c: {  	p2 =	seq.s32 s10, $0x1;
	s10 =	sld [smem:$0x3FB4]  }
0x3d: {  	_ =	shalt  }
0x3e: {  	_ =	shalt  }
0x3f: {  	_ =	shalt  }
0x40: {  	_ =	shalt  }
0x41: {  	_ =	shalt  }
0x42: {  	_ =	shalt  }
0x43: {  	_ =	shalt  }
0x44: {  	_ =	shalt  }
0x45: {  	_ =	shalt  }
0x46: {  	_ =	shalt  }
0x47: {  	_ =	shalt  }
0x48: {  	_ =	shalt  }
0x49: {  	_ =	shalt  }
0x4a: {  	_ =	shalt  }
0x4b: {  	_ =	shalt  }
0x4c: {  	_ =	shalt  }
0x4d: {  	_ =	shalt  }
0x4e: {  	_ =	shalt  }
0x4f: {  	_ =	shalt  }
0x50: {  	_ =	shalt  }
0x51: {  	_ =	shalt  }
0x52: {  	_ =	shalt  }
0x53: {  	_ =	shalt  }
0x54: {  	_ =	shalt  }
0x55: {  	_ =	shalt  }
0x56: {  	_ =	shalt  }
0x57: {  	_ =	shalt  }
0x58: {  	_ =	shalt  }
0x59: {  	_ =	shalt  }
0x5a: {  	_ =	shalt  }
0x5b: {  	_ =	shalt  }
0x5c: {  	_ =	shalt  }
0x5d: {  	_ =	shalt  }
0x5e: {  	_ =	shalt  }
0x5f: {  	_ =	shalt  }
0x60: {  	_ =	shalt  }
0x61: {  	_ =	shalt  }
0x62: {  	_ =	shalt  }
0x63: {  	_ =	shalt  }
0x64: {  	_ =	shalt  }
0x65: {  	_ =	shalt  }
0x66: {  	_ =	shalt  }
0x67: {  	_ =	shalt  }
0x68: {  	_ =	shalt  }
0x69: {  	_ =	shalt  }
0x6a: {  	_ =	shalt  }
0x6b: {  	_ =	shalt  }
0x6c: {  	_ =	shalt  }
0x6d: {  	_ =	shalt  }
0x6e: {  	_ =	shalt  }
0x6f: {  	_ =	shalt  }
0x70: {  	_ =	shalt  }
0x71: {  	_ =	shalt  }
0x72: {  	_ =	shalt  }
0x73: {  	_ =	shalt  }
0x74: {  	_ =	shalt  }
0x75: {  	_ =	shalt  }
0x76: {  	_ =	shalt  }
0x77: {  	_ =	shalt  }
0x78: {  	_ =	shalt  }
0x79: {  	_ =	shalt  }
0x7a: {  	_ =	shalt  }
0x7b: {  	_ =	shalt  }
0x7c: {  	_ =	shalt  }
0x7d: {  	_ =	shalt  }
0x7e: {  	_ =	shalt  }
0x7f: {  	_ =	shalt  }
0x80: {  	_ =	shalt  }
0x81: {  	_ =	shalt  }
0x82: {  	_ =	shalt  }
0x83: {  	_ =	shalt  }
0x84: {  	_ =	shalt  }
0x85: {  	_ =	shalt  }
0x86: {  	_ =	shalt  }
0x87: {  	_ =	shalt  }
.Lfunc_end0:
.L_simem_size_0:
called_computation.1_lowered:
.L_overlay_start_0:
0x88: {  	s2 =	sld [smem:$0x3FD9]  }
0x89: {  	s3 =	sld [smem:$0x3FFE];
	_ =	sdelay $0x1  }
0x8a: {  	s1 =	srdreg.scid  }
0x8b: {  	s0 =	sand.u32 $0x1, s1  }
0x8c: {  	s14 =	sshll.u32 s0, $0xA;
	s2 =	sadd.s32 s3, s2  }
0x8d: {  	s2 =	sadd.s32 s2, s14  }
0x8e: {  	[smem:$0x3FC0] =	sst s2  }
0x8f: {  	_ = 	snop  }
0x90: {  	s2 =	sld [smem:$0x3FD0];
	_ =	sdelay $0x2  }
0x91: {  	s15 =	simm.s32 $0xA;
	s4 =	simm.s32 $0x10  }
0x92: {  	[smem:s4], [sflag:s15] =	dma.local [hbm:s2], $0x1  }
0x93: {  	_ =	swait.eq [sflag:s15], $0x1  }
0x94: {  	[sflag:s15] =	ssyncset.done $0x0  }
0x95: {  	[sflag:s15] =	ssyncadd.s32 $0xFFFFFFFF  }
0x96: {  	s16 =	sld [smem:$0x11];
	(tm) =	ssettm $0x1  }
0x97: {  	s17 =	sld [smem:$0x3FFB];
	_ =	sdelay $0x3  }
0x98: {  	_ =	strace s17  }
0x99: {  	s3 =	sld [smem:$0x3FFC];
	_ =	sdelay $0x3  }
0x9a: {  	_ =	strace s3  }
0x9b: {  	s3 =	sld [smem:$0x3FFD];
	_ =	sdelay $0x3  }
0x9c: {  	_ =	strace s3  }
0x9d: {  	_ =	strace $0x8FFFFFFF  }
0x9e: {  	s18 =	sld [smem:$0x3FDB];
	_ =	sdelay $0x1  }
0x9f: {  	s19 =	simm.s32 $_scs_section_size  }
0xa0: {  	s5 =	simm.s32 $_size__tile_overlayer_lowered;
	s6 =	simm.s32 $_tile_overlayer_lowered  }
0xa1: {  	s22 =	simm.s32 $0x1BFF;
	s21 =	sshll.u32 s6, $0x1;
	s3 =	sadd.s32 s19, s18  }
0xa2: {  	s7 =	simm.s32 $0x0;
	s20 =	sshll.u32 s5, $0x1;
	s5 =	sadd.s32 s21, s3  }
0xa3: {  	[timem:s7], [sflag:s22] =	dma.local [hbm:s5], s20  }
0xa4: {  	_ =	swait.ge [sflag:s22], s20  }
0xa5: {  	s4 =	ssub.s32 $0x0, s20;
	[sflag:s22] =	ssyncset.done $0x0  }
0xa6: {  	[sflag:s22] =	ssyncadd.s32 s4;
	_ =	sdelay $0x1  }
0xa7: {  	s23 =	simm.s32 $0x1B8B  }
0xa8: {  	_ =	swait.ge [sflag:s23], $0x1  }
0xa9: {  	[sflag:s23] =	ssyncset.done $0x0  }
0xaa: {  	s25 =	simm.s32 $0x1B8E;
	s24 =	sld [smem:$0x3FFE];
	[sflag:s23] =	ssyncadd.s32 $0xFFFFFFFF  }
0xab: {  	s26 =	simm.s32 $execute0_lowered;
	[smem:$0x3FD2] =	sst s25  }
0xac: {  	s5 =	sshll.u32 s26, $0x1;
	_ =	strace $0x80000049;
	[dreg:$0x1] =	wrdreg $0xFFFFFFFF  }
0xad: {  	s28 =	simm.s32 $_size_execute0_lowered;
	s3 =	sadd.s32 s3, s5;
	[dreg:$0x0] =	wrdreg $0x0  }
0xae: {  	s5 =	sshll.u32 s28, $0x1;
	[dreg:$0x2] =	wrdreg s3  }
0xaf: {  	[dreg:$0x3] =	wrdreg s5  }
0xb0: {  	[dreg:$0x4] =	wrdreg $0xC0  }
0xb1: {  	_ =	task [dreg:s7], $0x5FFFF  }
0xb2: {  	[dreg:$0x1] =	wrdreg $0xFFFFFFFF  }
0xb3: {  	[dreg:$0x0] =	wrdreg $0x60  }
0xb4: {  	[dreg:$0x2] =	wrdreg s24  }
0xb5: {  	[dreg:$0x3] =	wrdreg s16  }
0xb6: {  	[dreg:$0x4] =	wrdreg $0x9  }
0xb7: {  	_ =	task.clear_ibuf [dreg:s7], $0x5FFFF;
	_ =	strace $0x90000049  }
0xb8: {  	s29 =	simm.s32 $0x9;
	_ =	strace $0x8000004B  }
0xb9: {  	_ =	swait.ge [sflag:s29], $0x1  }
0xba: {  	[sflag:s29] =	ssyncadd.s32 $0xFFFFFFFF  }
0xbb: {  	_ =	strace $0x9000004B  }
0xbc: {  	_ =	sfence  }
0xbd: {  	s30 =	sld [smem:$0x0];
	_ =	sdelay $0x2  }
0xbe: {  	s31 =	sshll.u32 s1, $0xD;
	s1 =	sshrl.u32 s1, $0x2  }
0xbf: {  	s3 =	sand.u32 $0x4000, s31;
	s1 =	sadd.s32 s1, s30  }
0xc0: {  	s0 =	sor.u32 s3, s0;
	s1 =	sshll.u32 s1, $0x11  }
0xc1: {  	s0 =	sor.u32 s1, s0  }
0xc2: {  	s0 =	sadd.s32 $0x8F2B, s0  }
0xc3: {  	[sflag:s0] =	ssyncadd.remote.s32 $0x1  }
0xc4: {  	_ =	sfence.sel $0xFFFF  }
0xc5: {  	[dreg:$0x0] =	wrdreg $0xFFFFFFFF;
	(pc) =	sbr.abs _section_cstart, $3  }
0xc6: {  	[dreg:$0x1] =	wrdreg $0xFFFFFFFF  }
0xc7: {  	_ =	task.clear_ibuf [dreg:s7], $0x2FFFF;
	_ =	strace $0x9FFFFFFF  }
0xc8: {  	(tm) =	ssettm $0x7FFFFFFF  }
0xc9: {  	_ =	shalt  }
tec
execute0_lowered:
.L_overlay_start_1:
0x0: {  	(tag) =	ssettag $0x1  }
0x1: {  	s0 =	srdreg.scid;
	s4 =	rddreg [dreg:$0x0]  }
0x2: {  	s6 =	rddreg [dreg:$0x1];
	s1 =	stileid.u32;
	s5 =	sand.u32 $0x1, s0  }
0x3: {  	s2 =	simm.s32 $0x0;
	s10 =	simm.s32 $0x2;
	s3 =	sshll.u32 s5, $0x4  }
0x4: {  	s11 =	simm.s32 $0x0;
	s0 =	rddreg [dreg:$0x2];
	s7 =	sor.u32 s1, s3  }
0x5: {  	[smem:$0x7FF] =	sst s2;
	s5 =	ssub.s32 $0x2, s5;
	s8 =	smul.u32 $0x4E2, s7  }
0x6: {  	_ =	strace $0x8000004A;
	s31 =	sshrl.u32 s5, $0x1;
	s7 =	smul.u32 $0x9C4, s7  }
0x7: {  	s3 =	sadd.s32 $0x1A00, s4;
	s9 =	ssub.s32 s5, s31;
	s8 =	sadd.s32 s8, s4  }
0x8: {  	v0 =	vlaneseq.u32;
	s6 =	sadd.s32 s6, s7;
	s7 =	smax.u32 s9, $0x1;
	s9 =	simm.s32 $0xEB80  }
0x9: {  	v0 =	vmul.u32 $0x2, v0;
	s4 =	sadd.s32 $0x4ED800, s8;
	s5 =	sadd.s32 $0x4E3A00, s8;
	s8 =	simm.s32 $0x1  }
.LBB2_1:
0xa: {  	[tilespmem:s2], [sflag:$0x1] =	stream.linear.gather [hbm4b:s3+s2], $0x9C80, $0x38;
	[tilespmem:$0x13A00] =	vst v63  }
0xb: {  	s12 =	simm.s32 $0x9C80  }
0xc: {  	[tilespmem:s12], [sflag:$0x1] =	stream.linear.gather [hbm4b:s4+s2], $0x2710, $0x38;
	[tilespmem:$0x13A00] =	vst v63  }
0xd: {  	s13 =	simm.s32 $0xC400  }
0xe: {  	[tilespmem:s13], [sflag:$0x1] =	stream.linear.gather [hbm4b:s5+s2], $0x2710, $0x38;
	[tilespmem:$0x13A00] =	vst v63  }
0xf: {  	_ =	swait.ge [sflag:s8], $0x9C80  }
0x10: {  	[sflag:s8] =	ssyncset.done $0x0  }
0x11: {  	[sflag:s8] =	ssyncadd.s32 $0xFFFF6380  }
0x12: {  	_ =	swait.ge [sflag:s8], $0x2710  }
0x13: {  	[sflag:s8] =	ssyncset.done $0x0  }
0x14: {  	[sflag:s8] =	ssyncadd.s32 $0xFFFFD8F0  }
0x15: {  	_ =	swait.ge [sflag:s8], $0x2710  }
0x16: {  	[sflag:s8] =	ssyncset.done $0x0  }
0x17: {  	[sflag:s8] =	ssyncadd.s32 $0xFFFFD8F0  }
0x18: {  	v1 =	vld [tilespmem:s12+$0x0]  }
0x19: {  	v2 =	vld [tilespmem:s13+$0x0];
	_ =	sdelay $0x4  }
0x1a: {  	v1 =	vshll.u32 v1, $0x2;
	v2 =	vshll.u32 v2, $0x2  }
0x1b: {  	v3 =	vor.u32 $0x2, v2  }
0x1c: {  	v2 =	vor.u32 $0x3, v2  }
0x1d: {  	v6 =	vor.u32 $0x1, v1;
	_ =	sdelay $0x1  }
0x1e: {  	v5 =	vld.idx.msk [tilespmem:v1+s2+$0x0], $0xffff  }
0x1f: {  	v1 =	vmov s2;
	v7 =	vld.idx.msk [tilespmem:v3+s2+$0x0], $0xffff  }
0x20: {  	v3 =	vshll.u32 v1, $0x1;
	v1 =	vld.idx.msk [tilespmem:v2+s2+$0x0], $0xffff  }
0x21: {  	v2 =	vld.idx.msk [tilespmem:v6+s2+$0x0], $0xffff;
	v4 =	vor.u32 v0, v3;
	_ =	sdelay $0x1  }
0x22: {  	v3 =	vor.u32 $0x1, v4  }
0x23: {  	s14 =	simm.s32 $0x10;
	v5 =	vadd.f32 v7, v5  }
.LBB2_2:
0x24: {  	p0 =	sne.s32 s14, $0x2700;
	s12 =	sadd.s32 $0x10, s12;
	s13 =	sadd.s32 $0x10, s13  }
0x25: {  	v1 =	vadd.f32 v1, v2;
	s15 =	smov.u32 s14;
	s14 =	sadd.s32 $0x10, s14;
	[tilespmem:v4+s9+$0x0] =	vst.idx.msk $0xffff, v5;
	_ =	sdelay $0x1  }
0x26: {  	[tilespmem:v3+s9+$0x0] =	vst.idx.msk $0xffff, v1  }
0x27: {  	v1 =	vld [tilespmem:s12+$0x0]  }
0x28: {  	v2 =	vld [tilespmem:s13+$0x0];
	_ =	sdelay $0x3  }
0x29: {  	v1 =	vshll.u32 v1, $0x2  }
0x2a: {  	v2 =	vshll.u32 v2, $0x2;
	v3 =	vor.u32 $0x1, v1  }
0x2b: {  	v4 =	vor.u32 $0x2, v2;
	v2 =	vor.u32 $0x3, v2;
	_ =	sdelay $0x3  }
0x2c: {  	v5 =	vld.idx.msk [tilespmem:v1+s2+$0x0], $0xffff  }
0x2d: {  	v6 =	vld.idx.msk [tilespmem:v4+s2+$0x0], $0xffff  }
0x2e: {  	v4 =	vmov s15;
	v1 =	vld.idx.msk [tilespmem:v2+s2+$0x0], $0xffff  }
.Ltmp0:
0x2f: {  	v2 =	vld.idx.msk [tilespmem:v3+s2+$0x0], $0xffff;
	v3 =	vshll.u32 v4, $0x1;
	(pc) =	sbr.rel @p0 .LBB2_2-.Ltmp0, $3  }
0x30: {  	v4 =	vor.u32 v0, v3;
	_ =	sdelay $0x1  }
0x31: {  	v3 =	vor.u32 $0x1, v4  }
0x32: {  	v5 =	vadd.f32 v6, v5  }
0x33: {  	_ =	sdelay $0x2  }
0x34: {  	v1 =	vadd.f32 v1, v2;
	s11 =	sadd.s32 $0x1, s11  }
0x35: {  	[tilespmem:v4+s9+$0x0] =	vst.idx.msk $0xffff, v5;
	p0 =	sne.s32 s11, s7  }
.Ltmp1:
0x36: {  	[tilespmem:v3+s9+$0x0] =	vst.idx.msk $0xffff, v1;
	(pc) =	sbr.rel @p0 .LBB2_1-.Ltmp1, $4  }
0x37: {  	[hbm4b:s6+s2] =	stream.linear.scatter [tilespmem:s9], [sflag:$0x2], $0x4E20, $0x38;
	[tilespmem:$0x13A00] =	vst v63  }
0x38: {  	_ =	swait.ge [sflag:s10], $0x4E20  }
0x39: {  	[sflag:s10] =	ssyncset.done $0x0  }
0x3a: {  	[sflag:s10] =	ssyncadd.s32 $0xFFFFB1E0  }
0x3b: {  	_ =	sfence.sel $0x180000  }
0x3c: {  	[bflag:$0x0] =	sbarrier.arrive $0xFFFF  }
0x3d: {  	p0 =	sne.s32 s1, $0x0;
	_ =	strace $0x9000004A  }
0x3e: {  	s0 =	sadd.s32 @!p0 $0x100000, s0;
	[bflag:$0x2] =	sbarrier.arrive $0xFFFF  }
0x3f: {  	[sflag:s0] =	ssyncadd.tile.s32 @!p0 $0x1;
	_ =	shalt  }
.Lfunc_end2:
_tile_overlayer_lowered:
.L_overlay_start_2:
0x40: {  	(tag) =	ssettag $0x2  }
0x41: {  	s0 =	rddreg [dreg:$0x0];
	s2 =	stileid.u32  }
0x42: {  	s1 =	rddreg [dreg:$0x1];
	p0 =	sne.s32 s2, $0x0  }
0x43: {  	s3 =	rddreg [dreg:$0x2];
	[bflag:$0x3] =	sbarrier.arrive $0xFFFF;
	s2 =	simm.s32 @!p0 $0x1C02  }
0x44: {  	[timem:s3], [sflag:s2] =	dma.local @!p0 [hbm:s0], s1  }
0x45: {  	s0 =	simm.s32 @!p0 $0x2  }
0x46: {  	_ =	swait.ge @!p0 [sflag:s0], s1  }
0x47: {  	s1 =	ssub.s32 @!p0 $0x0, s1;
	[sflag:s0] =	ssyncset.done @!p0 $0x0  }
0x48: {  	[sflag:s0] =	ssyncadd.s32 @!p0 s1  }
0x49: {  	[bflag:$0x3] =	sbarrier.arrive $0xFFFF  }
0x4a: {  	_ =	shalt  }

// kernel: kernel.7.cloned.1.call-start
scs
__scs_entry_jumppad:
0x0: {  	(pc) =	sbr.rel $0x88, $3  }
0x1: {  	(tag) =	ssettag $0x0;
	lr =	simm.s32 $0x1  }
0x2: {  	[smem:$0x3F99] =	sst lr;
	_ =	strace $0xD0000000  }
0x3: {  	_ = 	snop  }
0x4: {  	_ = 	snop  }
0x5: {  	_ = 	snop  }
0x6: {  	_ = 	snop  }
0x7: {  	_ = 	snop  }
__scs_overlays_trampoline_lowered:
0x8: {  	[smem:$0x3FA8] =	sst s0  }
0x9: {  	[smem:$0x3FA9] =	sst s1  }
0xa: {  	[smem:$0x3FAA] =	sst s2  }
0xb: {  	[smem:$0x3FAB] =	sst s3  }
0xc: {  	[smem:$0x3FAC] =	sst s4  }
0xd: {  	[smem:$0x3FAD] =	sst s5  }
0xe: {  	[smem:$0x3FAE] =	sst s6  }
0xf: {  	[smem:$0x3FAF] =	sst s7  }
0x10: {  	[smem:$0x3FB0] =	sst s8  }
0x11: {  	[smem:$0x3FB1] =	sst s9;
	s0 =	simm.s32 @!p0 $0x0  }
0x12: {  	s1 =	sld [smem:$0x3F97];
	s0 =	simm.s32 @p0 $0x1  }
0x13: {  	[smem:$0x3FB2] =	sst s0;
	s0 =	simm.s32 @!p1 $0x0  }
0x14: {  	s2 =	sld [smem:$0x3F96];
	s0 =	simm.s32 @p1 $0x1  }
0x15: {  	[smem:$0x3FB3] =	sst s0;
	s0 =	simm.s32 @!p2 $0x0  }
0x16: {  	s3 =	sld [smem:$0x3FDB];
	s0 =	simm.s32 @p2 $0x1  }
0x17: {  	s4 =	simm.s32 $0x1BF5;
	[smem:$0x3FB5] =	sst s0  }
0x18: {  	s0 =	sld [smem:$0x3F98];
	_ =	swait.ge [sflag:s4], $0x0  }
0x19: {  	s7 =	sld [smem:$0x3F99]  }
0x1a: {  	s8 =	sadd.s32 $0xFFFFE003, lr  }
0x1b: {  	s9 =	sadd.s32 $0xFFFFFEF7, lr;
	s5 =	simm.s32 $0xFFFFFFFF;
	p2 =	slt.u32 s8, $0xFFFFF086  }
0x1c: {  	p1 =	slt.u32 s9, $0xF7A;
	s5 =	simm.s32 @!p2 $0x0  }
0x1d: {  	s5 =	simm.s32 @p1 $0x1;
	p0 =	seq.s32 s7, s2  }
0x1e: {  	s7 =	smul.u32 @!p0 $0xF7A, s2;
	p2 =	seq.s32 @!p0 s5, $0x0  }
0x1f: {  	s9 =	smul.u32 $0xF7A, s1;
	s8 =	simm.s32 @!p0 $0x1BF5;
	p2 =	por !p2, p0  }
0x20: {  	[sflag:s8] =	ssyncset.s32 @!p0 $0xFFFFF086;
	s6 =	sadd.s32 @!p0 s3, s7;
	s7 =	simm.s32 @!p0 $0x108  }
0x21: {  	s3 =	sadd.s32 s3, s9;
	s6 =	sadd.s32 @!p0 $0x88, s6;
	s7 =	simm.s32 @p2 $0x1082  }
0x22: {  	[simem:s7], [sflag:s8] =	dma.local @!p0 [hbm:s6], $0xF7A  }
0x23: {  	s9 =	sor.u32 $0xD0000000, s2;
	s6 =	simm.s32 $0x108;
	_ =	swait.ge @!p0 [sflag:s8], $0x0  }
0x24: {  	s3 =	sadd.s32 $0x88, s3;
	s6 =	simm.s32 @!p1 $0x1082;
	[sflag:s4] =	ssyncset.s32 $0xFFFFF086  }
0x25: {  	[simem:s6], [sflag:s4] =	dma.local [hbm:s3], $0xF7A  }
0x26: {  	[smem:$0x3F99] =	sst s1;
	(tag) =	ssettag s2;
	_ =	strace s9  }
0x27: {  	s1 =	sld [smem:$0x3FA9]  }
0x28: {  	s2 =	sld [smem:$0x3FAA]  }
0x29: {  	s4 =	sld [smem:$0x3FAC]  }
0x2a: {  	p0 =	seq.s32 s5, $0x0;
	s5 =	sld [smem:$0x3FAD]  }
0x2b: {  	s6 =	sld [smem:$0x3FAE]  }
0x2c: {  	s7 =	sld [smem:$0x3FAF]  }
0x2d: {  	s3 =	simm.s32 $0x108;
	s8 =	sld [smem:$0x3FB0]  }
0x2e: {  	s3 =	simm.s32 @!p0 $0x1082;
	s9 =	sld [smem:$0x3FB1]  }
0x2f: {  	lr =	sadd.s32 s0, s3;
	s0 =	sld [smem:$0x3FA8]  }
0x30: {  	s3 =	sld [smem:$0x3FAB]  }
0x31: {  	[smem:$0x3FB4] =	sst s10  }
0x32: {  	s10 =	sld [smem:$0x3FB2];
	_ =	sdelay $0x3  }
0x33: {  	p0 =	seq.s32 s10, $0x1;
	s10 =	sld [smem:$0x3FB4];
	_ =	sdelay $0x3  }
0x34: {  	[smem:$0x3FB4] =	sst s10  }
0x35: {  	s10 =	sld [smem:$0x3FB3];
	_ =	sdelay $0x3  }
0x36: {  	p1 =	seq.s32 s10, $0x1;
	s10 =	sld [smem:$0x3FB4];
	_ =	sdelay $0x3  }
0x37: {  	[smem:$0x3FB4] =	sst s10  }
0x38: {  	s10 =	sld [smem:$0x3FB5]  }
0x39: {  	_ = 	snop;
	(pc) =	sbr.ind lr, $3  }
0x3a: {  	_ = 	snop  }
0x3b: {  	_ = 	snop  }
0x3c: {  	p2 =	seq.s32 s10, $0x1;
	s10 =	sld [smem:$0x3FB4]  }
0x3d: {  	_ =	shalt  }
0x3e: {  	_ =	shalt  }
0x3f: {  	_ =	shalt  }
0x40: {  	_ =	shalt  }
0x41: {  	_ =	shalt  }
0x42: {  	_ =	shalt  }
0x43: {  	_ =	shalt  }
0x44: {  	_ =	shalt  }
0x45: {  	_ =	shalt  }
0x46: {  	_ =	shalt  }
0x47: {  	_ =	shalt  }
0x48: {  	_ =	shalt  }
0x49: {  	_ =	shalt  }
0x4a: {  	_ =	shalt  }
0x4b: {  	_ =	shalt  }
0x4c: {  	_ =	shalt  }
0x4d: {  	_ =	shalt  }
0x4e: {  	_ =	shalt  }
0x4f: {  	_ =	shalt  }
0x50: {  	_ =	shalt  }
0x51: {  	_ =	shalt  }
0x52: {  	_ =	shalt  }
0x53: {  	_ =	shalt  }
0x54: {  	_ =	shalt  }
0x55: {  	_ =	shalt  }
0x56: {  	_ =	shalt  }
0x57: {  	_ =	shalt  }
0x58: {  	_ =	shalt  }
0x59: {  	_ =	shalt  }
0x5a: {  	_ =	shalt  }
0x5b: {  	_ =	shalt  }
0x5c: {  	_ =	shalt  }
0x5d: {  	_ =	shalt  }
0x5e: {  	_ =	shalt  }
0x5f: {  	_ =	shalt  }
0x60: {  	_ =	shalt  }
0x61: {  	_ =	shalt  }
0x62: {  	_ =	shalt  }
0x63: {  	_ =	shalt  }
0x64: {  	_ =	shalt  }
0x65: {  	_ =	shalt  }
0x66: {  	_ =	shalt  }
0x67: {  	_ =	shalt  }
0x68: {  	_ =	shalt  }
0x69: {  	_ =	shalt  }
0x6a: {  	_ =	shalt  }
0x6b: {  	_ =	shalt  }
0x6c: {  	_ =	shalt  }
0x6d: {  	_ =	shalt  }
0x6e: {  	_ =	shalt  }
0x6f: {  	_ =	shalt  }
0x70: {  	_ =	shalt  }
0x71: {  	_ =	shalt  }
0x72: {  	_ =	shalt  }
0x73: {  	_ =	shalt  }
0x74: {  	_ =	shalt  }
0x75: {  	_ =	shalt  }
0x76: {  	_ =	shalt  }
0x77: {  	_ =	shalt  }
0x78: {  	_ =	shalt  }
0x79: {  	_ =	shalt  }
0x7a: {  	_ =	shalt  }
0x7b: {  	_ =	shalt  }
0x7c: {  	_ =	shalt  }
0x7d: {  	_ =	shalt  }
0x7e: {  	_ =	shalt  }
0x7f: {  	_ =	shalt  }
0x80: {  	_ =	shalt  }
0x81: {  	_ =	shalt  }
0x82: {  	_ =	shalt  }
0x83: {  	_ =	shalt  }
0x84: {  	_ =	shalt  }
0x85: {  	_ =	shalt  }
0x86: {  	_ =	shalt  }
0x87: {  	_ =	shalt  }
.Lfunc_end0:
.L_simem_size_0:
called_computation_lowered:
.L_overlay_start_0:
0x88: {  	s2 =	sld [smem:$0x3FD9]  }
0x89: {  	s3 =	sld [smem:$0x3FFE];
	_ =	sdelay $0x1  }
0x8a: {  	s1 =	srdreg.scid  }
0x8b: {  	s0 =	sand.u32 $0x1, s1  }
0x8c: {  	s14 =	sshll.u32 s0, $0xA;
	s2 =	sadd.s32 s3, s2  }
0x8d: {  	s2 =	sadd.s32 s2, s14  }
0x8e: {  	[smem:$0x3FC0] =	sst s2  }
0x8f: {  	_ = 	snop  }
0x90: {  	s2 =	sld [smem:$0x3FD0];
	_ =	sdelay $0x2  }
0x91: {  	s15 =	simm.s32 $0xA;
	s4 =	simm.s32 $0x10  }
0x92: {  	[smem:s4], [sflag:s15] =	dma.local [hbm:s2], $0x1  }
0x93: {  	_ =	swait.eq [sflag:s15], $0x1  }
0x94: {  	[sflag:s15] =	ssyncset.done $0x0  }
0x95: {  	[sflag:s15] =	ssyncadd.s32 $0xFFFFFFFF  }
0x96: {  	s16 =	sld [smem:$0x11];
	(tm) =	ssettm $0x1  }
0x97: {  	s17 =	sld [smem:$0x3FFB];
	_ =	sdelay $0x3  }
0x98: {  	_ =	strace s17  }
0x99: {  	s3 =	sld [smem:$0x3FFC];
	_ =	sdelay $0x3  }
0x9a: {  	_ =	strace s3  }
0x9b: {  	s3 =	sld [smem:$0x3FFD];
	_ =	sdelay $0x3  }
0x9c: {  	_ =	strace s3  }
0x9d: {  	_ =	strace $0x8FFFFFFF  }
0x9e: {  	s18 =	sld [smem:$0x3FDB];
	_ =	sdelay $0x1  }
0x9f: {  	s19 =	simm.s32 $_scs_section_size  }
0xa0: {  	s5 =	simm.s32 $_size__tile_overlayer_lowered;
	s6 =	simm.s32 $_tile_overlayer_lowered  }
0xa1: {  	s22 =	simm.s32 $0x1BFF;
	s21 =	sshll.u32 s6, $0x1;
	s3 =	sadd.s32 s19, s18  }
0xa2: {  	s7 =	simm.s32 $0x0;
	s20 =	sshll.u32 s5, $0x1;
	s5 =	sadd.s32 s21, s3  }
0xa3: {  	[timem:s7], [sflag:s22] =	dma.local [hbm:s5], s20  }
0xa4: {  	_ =	swait.ge [sflag:s22], s20  }
0xa5: {  	s4 =	ssub.s32 $0x0, s20;
	[sflag:s22] =	ssyncset.done $0x0  }
0xa6: {  	[sflag:s22] =	ssyncadd.s32 s4;
	_ =	sdelay $0x1  }
0xa7: {  	s23 =	simm.s32 $0x1B8B  }
0xa8: {  	_ =	swait.ge [sflag:s23], $0x1  }
0xa9: {  	[sflag:s23] =	ssyncset.done $0x0  }
0xaa: {  	s25 =	simm.s32 $0x1B8E;
	s24 =	sld [smem:$0x3FFE];
	[sflag:s23] =	ssyncadd.s32 $0xFFFFFFFF  }
0xab: {  	s26 =	simm.s32 $execute0_lowered;
	[smem:$0x3FD2] =	sst s25  }
0xac: {  	s5 =	sshll.u32 s26, $0x1;
	_ =	strace $0x80000046;
	[dreg:$0x1] =	wrdreg $0xFFFFFFFF  }
0xad: {  	s28 =	simm.s32 $_size_execute0_lowered;
	s3 =	sadd.s32 s3, s5;
	[dreg:$0x0] =	wrdreg $0x0  }
0xae: {  	s5 =	sshll.u32 s28, $0x1;
	[dreg:$0x2] =	wrdreg s3  }
0xaf: {  	[dreg:$0x3] =	wrdreg s5  }
0xb0: {  	[dreg:$0x4] =	wrdreg $0xC0  }
0xb1: {  	_ =	task [dreg:s7], $0x5FFFF  }
0xb2: {  	[dreg:$0x1] =	wrdreg $0xFFFFFFFF  }
0xb3: {  	[dreg:$0x0] =	wrdreg $0x60  }
0xb4: {  	[dreg:$0x2] =	wrdreg s24  }
0xb5: {  	[dreg:$0x3] =	wrdreg s16  }
0xb6: {  	[dreg:$0x4] =	wrdreg $0xC3000  }
0xb7: {  	[dreg:$0x5] =	wrdreg $0x9  }
0xb8: {  	_ =	task.clear_ibuf [dreg:s7], $0x6FFFF;
	_ =	strace $0x90000046  }
0xb9: {  	s29 =	simm.s32 $0x9;
	_ =	strace $0x80000048  }
0xba: {  	_ =	swait.ge [sflag:s29], $0x1  }
0xbb: {  	[sflag:s29] =	ssyncadd.s32 $0xFFFFFFFF  }
0xbc: {  	_ =	strace $0x90000048  }
0xbd: {  	_ =	sfence  }
0xbe: {  	s30 =	sld [smem:$0x0];
	_ =	sdelay $0x2  }
0xbf: {  	s31 =	sshll.u32 s1, $0xD;
	s1 =	sshrl.u32 s1, $0x2  }
0xc0: {  	s3 =	sand.u32 $0x4000, s31;
	s1 =	sadd.s32 s1, s30  }
0xc1: {  	s0 =	sor.u32 s3, s0;
	s1 =	sshll.u32 s1, $0x11  }
0xc2: {  	s0 =	sor.u32 s1, s0  }
0xc3: {  	s0 =	sadd.s32 $0x8F2B, s0  }
0xc4: {  	[sflag:s0] =	ssyncadd.remote.s32 $0x1  }
0xc5: {  	_ =	sfence.sel $0xFFFF  }
0xc6: {  	[dreg:$0x0] =	wrdreg $0xFFFFFFFF;
	(pc) =	sbr.abs _section_cstart, $3  }
0xc7: {  	[dreg:$0x1] =	wrdreg $0xFFFFFFFF  }
0xc8: {  	_ =	task.clear_ibuf [dreg:s7], $0x2FFFF;
	_ =	strace $0x9FFFFFFF  }
0xc9: {  	(tm) =	ssettm $0x7FFFFFFF  }
tec
execute0_lowered:
.L_overlay_start_1:
0x0: {  	(tag) =	ssettag $0x1  }
0x1: {  	s0 =	rddreg [dreg:$0x0]  }
0x2: {  	s1 =	rddreg [dreg:$0x1]  }
0x3: {  	s2 =	rddreg [dreg:$0x2];
	s3 =	simm.s32 $0x0;
	s4 =	srdreg.scid  }
0x4: {  	s13 =	stileid.u32;
	s28 =	simm.s32 $0xC080;
	s30 =	simm.s32 $0x9  }
0x5: {  	s31 =	simm.s32 $0x7;
	s29 =	simm.s32 $0x1;
	s14 =	simm.s32 $0x4  }
0x6: {  	[smem:$0x7FF] =	sst s3;
	s5 =	sadd.s32 $0x4F7600, s0;
	s9 =	smul.u32 $0x13C00, s13  }
0x7: {  	s4 =	sand.u32 $0x1, s4;
	s6 =	sadd.s32 $0xA16800, s0;
	s16 =	smul.u32 $0x4F000, s13  }
0x8: {  	s7 =	sadd.s32 $0x1A00, s0;
	s8 =	smul.u32 $0x13C000, s4;
	s10 =	sshll.u32 s4, $0x4  }
0x9: {  	_ =	strace $0x80000047;
	s4 =	ssub.s32 $0x2, s4;
	s10 =	sor.u32 s13, s10  }
0xa: {  	s11 =	sshrl.u32 s4, $0x1;
	s8 =	sadd.s32 s9, s8;
	s15 =	smul.u32 $0x4F8, s10  }
0xb: {  	s12 =	smul.u32 $0x27C0, s10;
	s4 =	ssub.s32 s4, s11;
	s11 =	sshrl.u32 s16, $0x2  }
0xc: {  	s21 =	smul.u32 $0x27C00, s10;
	s8 =	sshrl.u32 s8, $0x3;
	s26 =	smax.u32 s4, $0x1  }
0xd: {  	s13 =	sadd.s32 s11, s2;
	s17 =	sadd.s32 s1, s15;
	[dreg:$0x10] =	wrdreg s26  }
0xe: {  	s4 =	simm.s32 $0x8;
	s9 =	sadd.s32 s7, s15;
	[dreg:$0x4] =	wrdreg s17  }
0xf: {  	s11 =	simm.s32 $0xC200;
	s19 =	sadd.s32 $0x3000, s13;
	[dreg:$0x5] =	wrdreg s9  }
0x10: {  	s0 =	sadd.s32 s8, s0;
	s20 =	sadd.s32 $0x6000, s13;
	[dreg:$0x8] =	wrdreg s19  }
0x11: {  	s8 =	smul.u32 $0x6A, s10;
	s22 =	sadd.s32 $0x9000, s13;
	[dreg:$0x9] =	wrdreg s20  }
0x12: {  	s12 =	sshrl.u32 s12, $0x3;
	s23 =	sadd.s32 $0xC000, s13;
	[dreg:$0xa] =	wrdreg s22  }
0x13: {  	s24 =	sadd.s32 $0xF000, s13;
	s25 =	sadd.s32 $0x12000, s13;
	[dreg:$0xb] =	wrdreg s23  }
0x14: {  	s26 =	simm.s32 $0x3;
	s10 =	simm.s32 $0x9000;
	[dreg:$0xc] =	wrdreg s24  }
0x15: {  	s15 =	simm.s32 $0xC280;
	s18 =	sadd.s32 $0xC, s12;
	[dreg:$0xd] =	wrdreg s25  }
0x16: {  	s0 =	sadd.s32 $0xBA00, s0;
	s17 =	simm.s32 $0xC000;
	s25 =	simm.s32 $0x0  }
0x17: {  	s12 =	sadd.s32 s1, s18;
	s9 =	sadd.s32 s7, s18;
	[dreg:$0xf] =	wrdreg s0  }
0x18: {  	s22 =	sadd.s32 $0x3, s8;
	s0 =	simm.s32 $0x60;
	[dreg:$0x6] =	wrdreg s12  }
0x19: {  	[dreg:$0x7] =	wrdreg s9;
	s9 =	sadd.s32 s6, s21;
	s21 =	sor.u32 $0x1, s8  }
0x1a: {  	v0 =	vimm.f32 $0.0e+00;
	s12 =	simm.s32 $0x2;
	[dreg:$0xe] =	wrdreg s9;
	s9 =	simm.s32 $0x3000  }
.LBB2_1:
0x1b: {  	s16 =	rddreg [dreg:$0x4]  }
0x1c: {  	s19 =	rddreg [dreg:$0x5]  }
0x1d: {  	[tilespmem:s17], [sflag:$0x7] =	stream.linear.gather [hbm4b:s16+s3], $0x60, $0x38;
	[tilespmem:$0x1FF00] =	vst v63  }
0x1e: {  	s18 =	simm.s32 $0xC100;
	s20 =	rddreg [dreg:$0x6]  }
0x1f: {  	[tilespmem:s18], [sflag:$0x7] =	stream.linear.gather [hbm4b:s19+s3], $0x60, $0x38;
	[tilespmem:$0x1FF00] =	vst v63  }
0x20: {  	s23 =	rddreg [dreg:$0x7]  }
0x21: {  	[tilespmem:s28], [sflag:$0x8] =	stream.linear.gather [hbm4b:s20+s3], $0x60, $0x38;
	[tilespmem:$0x1FF00] =	vst v63  }
0x22: {  	s24 =	simm.s32 $0xC180;
	s16 =	simm.s32 $0x0;
	s19 =	simm.s32 $0x200  }
0x23: {  	[tilespmem:s24], [sflag:$0x8] =	stream.linear.gather [hbm4b:s23+s3], $0x60, $0x38;
	[tilespmem:$0x1FF00] =	vst v63  }
.LBB2_2:
0x24: {  	p0 =	sne.s32 s19, $0xBE00;
	[tilespmem:s16+$0x70] =	vst v0  }
0x25: {  	[tilespmem:s16+$0x0] =	vst v0  }
0x26: {  	[tilespmem:s16+$0x10] =	vst v0  }
.Ltmp0:
0x27: {  	[tilespmem:s16+$0x20] =	vst v0;
	(pc) =	sbr.rel @p0 .LBB2_2-.Ltmp0, $4  }
0x28: {  	[tilespmem:s16+$0x30] =	vst v0  }
0x29: {  	[tilespmem:s16+$0x40] =	vst v0  }
0x2a: {  	[tilespmem:s16+$0x50] =	vst v0  }
0x2b: {  	[tilespmem:s16+$0x60] =	vst v0;
	s16 =	sshra.s32 s19, $0x2;
	s19 =	sadd.s32 $0x200, s19  }
0x2c: {  	[tilespmem:s16+$0x70] =	vst v0  }
0x2d: {  	[tilespmem:s16+$0x0] =	vst v0  }
0x2e: {  	[tilespmem:s16+$0x10] =	vst v0  }
0x2f: {  	[tilespmem:s16+$0x20] =	vst v0  }
0x30: {  	[tilespmem:s16+$0x30] =	vst v0  }
0x31: {  	[tilespmem:s16+$0x40] =	vst v0  }
0x32: {  	[tilespmem:s16+$0x50] =	vst v0  }
0x33: {  	[tilespmem:s16+$0x60] =	vst v0;
	s19 =	simm.s32 $0x0  }
0x34: {  	[spmem:s13] =	stream.linear.scatter [tilespmem:s19], [sflag:$0x9], $0x3000, $0x38;
	[tilespmem:$0x1FF00] =	vst v63  }
0x35: {  	s18 =	rddreg [dreg:$0x8]  }
0x36: {  	[spmem:s18] =	stream.linear.scatter [tilespmem:s19], [sflag:$0x9], $0x3000, $0x38;
	[tilespmem:$0x1FF00] =	vst v63  }
0x37: {  	s20 =	rddreg [dreg:$0x9]  }
0x38: {  	[spmem:s20] =	stream.linear.scatter [tilespmem:s19], [sflag:$0x9], $0x3000, $0x38;
	[tilespmem:$0x1FF00] =	vst v63  }
0x39: {  	s23 =	rddreg [dreg:$0xa]  }
0x3a: {  	[spmem:s23] =	stream.linear.scatter [tilespmem:s19], [sflag:$0x9], $0x3000, $0x38;
	[tilespmem:$0x1FF00] =	vst v63  }
0x3b: {  	s24 =	rddreg [dreg:$0xb]  }
0x3c: {  	[spmem:s24] =	stream.linear.scatter [tilespmem:s19], [sflag:$0x9], $0x3000, $0x38;
	[tilespmem:$0x1FF00] =	vst v63  }
0x3d: {  	s18 =	rddreg [dreg:$0xc]  }
0x3e: {  	[spmem:s18] =	stream.linear.scatter [tilespmem:s19], [sflag:$0x9], $0x3000, $0x38;
	[tilespmem:$0x1FF00] =	vst v63  }
0x3f: {  	s20 =	rddreg [dreg:$0xd]  }
0x40: {  	[spmem:s20] =	stream.linear.scatter [tilespmem:s19], [sflag:$0x9], $0x1C00, $0x38;
	[tilespmem:$0x1FF00] =	vst v63  }
0x41: {  	_ =	swait.ge [sflag:s30], $0x3000  }
0x42: {  	[sflag:s30] =	ssyncset.done $0x0  }
0x43: {  	[sflag:s30] =	ssyncadd.s32 $0xFFFFD000  }
0x44: {  	_ =	swait.ge [sflag:s30], $0x3000  }
0x45: {  	[sflag:s30] =	ssyncset.done $0x0  }
0x46: {  	[sflag:s30] =	ssyncadd.s32 $0xFFFFD000  }
0x47: {  	_ =	swait.ge [sflag:s30], $0x3000  }
0x48: {  	[sflag:s30] =	ssyncset.done $0x0  }
0x49: {  	[sflag:s30] =	ssyncadd.s32 $0xFFFFD000  }
0x4a: {  	_ =	swait.ge [sflag:s30], $0x3000  }
0x4b: {  	[sflag:s30] =	ssyncset.done $0x0  }
0x4c: {  	[sflag:s30] =	ssyncadd.s32 $0xFFFFD000  }
0x4d: {  	_ =	swait.ge [sflag:s30], $0x3000  }
0x4e: {  	[sflag:s30] =	ssyncset.done $0x0  }
0x4f: {  	[sflag:s30] =	ssyncadd.s32 $0xFFFFD000  }
0x50: {  	_ =	swait.ge [sflag:s30], $0x3000  }
0x51: {  	[sflag:s30] =	ssyncset.done $0x0  }
0x52: {  	[sflag:s30] =	ssyncadd.s32 $0xFFFFD000  }
0x53: {  	_ =	swait.ge [sflag:s30], $0x1C00  }
0x54: {  	[sflag:s30] =	ssyncset.done $0x0  }
0x55: {  	[sflag:s30] =	ssyncadd.s32 $0xFFFFE400  }
0x56: {  	[bflag:$0x0] =	sbarrier.arrive $0xFFFF  }
0x57: {  	_ =	swait.ge [sflag:s31], $0x60  }
0x58: {  	[sflag:s31] =	ssyncset.done $0x0  }
0x59: {  	[sflag:s31] =	ssyncadd.s32 $0xFFFFFFA0  }
0x5a: {  	_ =	swait.ge [sflag:s31], $0x60  }
0x5b: {  	[sflag:s31] =	ssyncset.done $0x0  }
0x5c: {  	[sflag:s31] =	ssyncadd.s32 $0xFFFFFFA0  }
0x5d: {  	[tilespmem:s19], [sflag:$0x1] =	stream.indirect.gather [hbm4b:s5+s0], $0x80, s17, s0, $0xb8;
	[tilespmem:$0x1FF00] =	vst v63  }
0x5e: {  	s24 =	simm.s32 $0x6000;
	s23 =	rddreg [dreg:$0xe]  }
0x5f: {  	[tilespmem:s24], [sflag:$0x3] =	stream.linear.gather [hbm4b:s23+s19], $0x3000, $0x38;
	[tilespmem:$0x1FF00] =	vst v63  }
.LBB2_4:
0x60: {  	_ =	swait.ge [sflag:s29], $0x3000  }
0x61: {  	[sflag:s29] =	ssyncset.done $0x0  }
0x62: {  	[sflag:s29] =	ssyncadd.s32 $0xFFFFD000  }
0x63: {  	_ =	swait.ge [sflag:s26], $0x3000  }
0x64: {  	p0 =	seq.s32 s19, $0x0;
	[sflag:s26] =	ssyncset.done $0x0  }
0x65: {  	s16 =	simm.s32 @!p0 $0x6;
	[sflag:s26] =	ssyncadd.s32 $0xFFFFD000  }
0x66: {  	_ =	swait.ge @!p0 [sflag:s16], $0x3000  }
0x67: {  	[sflag:s16] =	ssyncset.done @!p0 $0x0  }
0x68: {  	[sflag:s16] =	ssyncadd.s32 @!p0 $0xFFFFD000  }
0x69: {  	_ =	swait.ge [sflag:s4], $0x60  }
0x6a: {  	[sflag:s4] =	ssyncset.done $0x0  }
0x6b: {  	[sflag:s4] =	ssyncadd.s32 $0xFFFFFFA0  }
0x6c: {  	s20 =	sshll.u32 s19, $0x1;
	_ =	swait.ge [sflag:s4], $0x60  }
0x6d: {  	s24 =	sadd.s32 s20, s21;
	[sflag:s4] =	ssyncset.done $0x0  }
0x6e: {  	s16 =	smul.u32 $0x600, s24;
	[sflag:s4] =	ssyncadd.s32 $0xFFFFFFA0  }
0x6f: {  	[tilespmem:s9], [sflag:$0x2] =	stream.indirect.gather [hbm4b:s5+s0], $0x80, s28, s0, $0xb8;
	[tilespmem:$0x1FF00] =	vst v63  }
0x70: {  	s16 =	sadd.s32 s6, s16  }
0x71: {  	[tilespmem:s10], [sflag:$0x4] =	stream.linear.gather [hbm4b:s16+s3], $0x3000, $0x38;
	[tilespmem:$0x1FF00] =	vst v63  }
0x72: {  	v1 =	vld [tilespmem:$0xC100]  }
0x73: {  	v2 =	vld [tilespmem:$0xC110]  }
0x74: {  	v3 =	vld [tilespmem:$0xC120]  }
0x75: {  	v4 =	vld [tilespmem:$0xC130]  }
0x76: {  	v5 =	vld [tilespmem:$0xC140]  }
0x77: {  	[tilespmem:$0xC200] =	vst v1;
	v1 =	vld [tilespmem:$0xC150]  }
0x78: {  	p0 =	seq.s32 s19, $0x34;
	s16 =	sadd.s32 $0x2, s20;
	[tilespmem:$0xC210] =	vst v2  }
0x79: {  	s23 =	sadd.s32 @!p0 s8, s16;
	[tilespmem:$0xC220] =	vst v3  }
0x7a: {  	s16 =	smul.u32 @!p0 $0xC, s23;
	[tilespmem:$0xC230] =	vst v4  }
0x7b: {  	[tilespmem:$0xC240] =	vst v5  }
0x7c: {  	s17 =	simm.s32 @!p0 $0x0;
	s18 =	simm.s32 @!p0 $0xC000;
	s24 =	sadd.s32 @!p0 s1, s16;
	[tilespmem:$0xC250] =	vst v1  }
0x7d: {  	[tilespmem:s18], [sflag:$0x7] =	stream.linear.gather @!p0 [hbm4b:s24+s17], $0x60, $0x38;
	[tilespmem:$0x1FF00] =	vst v63  }
0x7e: {  	s16 =	sadd.s32 @!p0 s7, s16;
	s18 =	simm.s32 @!p0 $0xC100;
	s24 =	simm.s32 $0x0  }
0x7f: {  	[tilespmem:s18], [sflag:$0x7] =	stream.linear.gather @!p0 [hbm4b:s16+s17], $0x60, $0x38;
	[tilespmem:$0x1FF00] =	vst v63  }
0x80: {  	v8 =	vld [tilespmem:s24+$0x6000]  }
0x81: {  	v12 =	vld [tilespmem:s24+$0x6010]  }
0x82: {  	v6 =	vld [tilespmem:s24+$0x6020]  }
0x83: {  	v5 =	vld [tilespmem:s24+$0x6030]  }
0x84: {  	v4 =	vld [tilespmem:s24+$0x6040]  }
0x85: {  	v3 =	vld [tilespmem:s24+$0x6050]  }
0x86: {  	v2 =	vld [tilespmem:s24+$0x6060]  }
0x87: {  	v1 =	vld [tilespmem:s24+$0x6070]  }
0x88: {  	v13 =	vld [tilespmem:s24+$0x0]  }
0x89: {  	v14 =	vld [tilespmem:s24+$0x10]  }
0x8a: {  	v11 =	vld [tilespmem:s24+$0x20]  }
0x8b: {  	v10 =	vld [tilespmem:s24+$0x30]  }
0x8c: {  	v9 =	vld [tilespmem:s24+$0x40]  }
0x8d: {  	v7 =	vld [tilespmem:s24+$0x50];
	v13 =	vmul.f32 v8, v13  }
0x8e: {  	s16 =	simm.s32 $0x200;
	v12 =	vmul.f32 v12, v14;
	v8 =	vld [tilespmem:s24+$0x60]  }
.LBB2_5:
0x8f: {  	s17 =	sshra.s32 s16, $0x2;
	p1 =	sne.s32 s16, $0xBE00;
	[tilespmem:s24+$0x0] =	vst v13;
	v6 =	vmul.f32 v6, v11;
	v11 =	vld [tilespmem:s24+$0x70]  }
0x90: {  	v13 =	vld [tilespmem:s17+$0x6000];
	[tilespmem:s24+$0x10] =	vst v12;
	v5 =	vmul.f32 v5, v10  }
0x91: {  	v12 =	vld [tilespmem:s17+$0x6010];
	[tilespmem:s24+$0x20] =	vst v6;
	v4 =	vmul.f32 v4, v9  }
0x92: {  	v6 =	vld [tilespmem:s17+$0x6020];
	[tilespmem:s24+$0x30] =	vst v5;
	v3 =	vmul.f32 v3, v7  }
0x93: {  	v5 =	vld [tilespmem:s17+$0x6030];
	[tilespmem:s24+$0x40] =	vst v4;
	v2 =	vmul.f32 v2, v8  }
0x94: {  	v4 =	vld [tilespmem:s17+$0x6040];
	[tilespmem:s24+$0x50] =	vst v3;
	v1 =	vmul.f32 v1, v11  }
0x95: {  	v3 =	vld [tilespmem:s17+$0x6050];
	[tilespmem:s24+$0x60] =	vst v2  }
0x96: {  	v2 =	vld [tilespmem:s17+$0x6060];
	[tilespmem:s24+$0x70] =	vst v1;
	s24 =	smov.u32 s17  }
0x97: {  	v1 =	vld [tilespmem:s24+$0x6070]  }
0x98: {  	v7 =	vld [tilespmem:s24+$0x0]  }
0x99: {  	v8 =	vld [tilespmem:s24+$0x10]  }
.Ltmp1:
0x9a: {  	v11 =	vld [tilespmem:s24+$0x20];
	(pc) =	sbr.rel @p1 .LBB2_5-.Ltmp1, $4  }
0x9b: {  	v10 =	vld [tilespmem:s24+$0x30]  }
0x9c: {  	v9 =	vld [tilespmem:s24+$0x40]  }
0x9d: {  	v13 =	vmul.f32 v13, v7;
	v7 =	vld [tilespmem:s24+$0x50]  }
0x9e: {  	s16 =	sadd.s32 $0x200, s16;
	v12 =	vmul.f32 v12, v8;
	v8 =	vld [tilespmem:s24+$0x60]  }
0x9f: {  	[tilespmem:s24+$0x0] =	vst v13;
	v6 =	vmul.f32 v6, v11;
	v11 =	vld [tilespmem:s24+$0x70]  }
0xa0: {  	[tilespmem:s24+$0x10] =	vst v12;
	v5 =	vmul.f32 v5, v10  }
0xa1: {  	[tilespmem:s24+$0x20] =	vst v6;
	v4 =	vmul.f32 v4, v9  }
0xa2: {  	[tilespmem:s24+$0x30] =	vst v5;
	v3 =	vmul.f32 v3, v7  }
0xa3: {  	[tilespmem:s24+$0x40] =	vst v4;
	v2 =	vmul.f32 v2, v8  }
0xa4: {  	[tilespmem:s24+$0x50] =	vst v3;
	v1 =	vmul.f32 v1, v11  }
0xa5: {  	[tilespmem:s24+$0x60] =	vst v2  }
0xa6: {  	[tilespmem:s24+$0x70] =	vst v1  }
0xa7: {  	[spmem:s2] =	stream.indirect.scatter.add.f32 [tilespmem:s3], [sflag:$0x5], $0x80, s11, s0, $0xb8;
	[tilespmem:$0x1FF00] =	vst v63  }
0xa8: {  	_ =	swait.ge [sflag:s12], $0x3000  }
0xa9: {  	[sflag:s12] =	ssyncset.done $0x0  }
0xaa: {  	[sflag:s12] =	ssyncadd.s32 $0xFFFFD000  }
0xab: {  	_ =	swait.ge [sflag:s14], $0x3000  }
0xac: {  	[sflag:s14] =	ssyncset.done $0x0  }
0xad: {  	s16 =	simm.s32 @!p0 $0x5;
	[sflag:s14] =	ssyncadd.s32 $0xFFFFD000  }
0xae: {  	_ =	swait.ge @!p0 [sflag:s16], $0x3000  }
0xaf: {  	[sflag:s16] =	ssyncset.done @!p0 $0x0  }
0xb0: {  	[sflag:s16] =	ssyncadd.s32 @!p0 $0xFFFFD000;
	s16 =	simm.s32 @!p0 $0x7  }
0xb1: {  	_ =	swait.ge @!p0 [sflag:s16], $0x60  }
0xb2: {  	[sflag:s16] =	ssyncset.done @!p0 $0x0  }
0xb3: {  	[sflag:s16] =	ssyncadd.s32 @!p0 $0xFFFFFFA0  }
0xb4: {  	_ =	swait.ge @!p0 [sflag:s16], $0x60  }
0xb5: {  	s17 =	simm.s32 @!p0 $0xC000;
	s18 =	simm.s32 @!p0 $0x0;
	[sflag:s16] =	ssyncset.done @!p0 $0x0  }
0xb6: {  	s23 =	smul.u32 @!p0 $0x600, s23;
	[sflag:s16] =	ssyncadd.s32 @!p0 $0xFFFFFFA0;
	s16 =	simm.s32 @!p0 $0x60  }
0xb7: {  	[tilespmem:s18], [sflag:$0x1] =	stream.indirect.gather @!p0 [hbm4b:s5+s16], $0x80, s17, s16, $0xb8;
	[tilespmem:$0x1FF00] =	vst v63  }
0xb8: {  	s16 =	sadd.s32 @!p0 s6, s23;
	s17 =	simm.s32 @!p0 $0x6000  }
0xb9: {  	[tilespmem:s17], [sflag:$0x3] =	stream.linear.gather @!p0 [hbm4b:s16+s18], $0x3000, $0x38;
	[tilespmem:$0x1FF00] =	vst v63  }
0xba: {  	v1 =	vld [tilespmem:$0xC180]  }
0xbb: {  	v2 =	vld [tilespmem:$0xC190]  }
0xbc: {  	v3 =	vld [tilespmem:$0xC1A0]  }
0xbd: {  	v4 =	vld [tilespmem:$0xC1B0]  }
0xbe: {  	v5 =	vld [tilespmem:$0xC1C0]  }
0xbf: {  	[tilespmem:$0xC280] =	vst v1;
	v1 =	vld [tilespmem:$0xC1D0]  }
0xc0: {  	[tilespmem:$0xC290] =	vst v2  }
0xc1: {  	s16 =	sadd.s32 @!p0 s20, s22;
	[tilespmem:$0xC2A0] =	vst v3  }
0xc2: {  	s16 =	smul.u32 @!p0 $0xC, s16;
	[tilespmem:$0xC2B0] =	vst v4  }
0xc3: {  	[tilespmem:$0xC2C0] =	vst v5  }
0xc4: {  	s20 =	simm.s32 @!p0 $0xC080;
	s17 =	sadd.s32 @!p0 s1, s16;
	[tilespmem:$0xC2D0] =	vst v1  }
0xc5: {  	[tilespmem:s20], [sflag:$0x8] =	stream.linear.gather @!p0 [hbm4b:s17+s18], $0x60, $0x38;
	[tilespmem:$0x1FF00] =	vst v63  }
0xc6: {  	s16 =	sadd.s32 @!p0 s7, s16;
	s17 =	simm.s32 @!p0 $0xC180;
	s20 =	simm.s32 $0x0  }
0xc7: {  	[tilespmem:s17], [sflag:$0x8] =	stream.linear.gather @!p0 [hbm4b:s16+s18], $0x60, $0x38;
	[tilespmem:$0x1FF00] =	vst v63  }
0xc8: {  	v8 =	vld [tilespmem:s20+$0x9000]  }
0xc9: {  	v12 =	vld [tilespmem:s20+$0x9010]  }
0xca: {  	v6 =	vld [tilespmem:s20+$0x9020]  }
0xcb: {  	v5 =	vld [tilespmem:s20+$0x9030]  }
0xcc: {  	v4 =	vld [tilespmem:s20+$0x9040]  }
0xcd: {  	v3 =	vld [tilespmem:s20+$0x9050]  }
0xce: {  	v2 =	vld [tilespmem:s20+$0x9060]  }
0xcf: {  	v1 =	vld [tilespmem:s20+$0x9070]  }
0xd0: {  	v13 =	vld [tilespmem:s20+$0x3000]  }
0xd1: {  	v14 =	vld [tilespmem:s20+$0x3010]  }
0xd2: {  	v11 =	vld [tilespmem:s20+$0x3020]  }
0xd3: {  	v10 =	vld [tilespmem:s20+$0x3030]  }
0xd4: {  	v9 =	vld [tilespmem:s20+$0x3040]  }
0xd5: {  	v7 =	vld [tilespmem:s20+$0x3050];
	v13 =	vmul.f32 v8, v13  }
0xd6: {  	s16 =	simm.s32 $0x200;
	v12 =	vmul.f32 v12, v14;
	v8 =	vld [tilespmem:s20+$0x3060]  }
.LBB2_7:
0xd7: {  	s17 =	sshra.s32 s16, $0x2;
	p0 =	sne.s32 s16, $0xBE00;
	[tilespmem:s20+$0x3000] =	vst v13;
	v6 =	vmul.f32 v6, v11;
	v11 =	vld [tilespmem:s20+$0x3070]  }
0xd8: {  	v13 =	vld [tilespmem:s17+$0x9000];
	[tilespmem:s20+$0x3010] =	vst v12;
	v5 =	vmul.f32 v5, v10  }
0xd9: {  	v12 =	vld [tilespmem:s17+$0x9010];
	[tilespmem:s20+$0x3020] =	vst v6;
	v4 =	vmul.f32 v4, v9  }
0xda: {  	v6 =	vld [tilespmem:s17+$0x9020];
	[tilespmem:s20+$0x3030] =	vst v5;
	v3 =	vmul.f32 v3, v7  }
0xdb: {  	v5 =	vld [tilespmem:s17+$0x9030];
	[tilespmem:s20+$0x3040] =	vst v4;
	v2 =	vmul.f32 v2, v8  }
0xdc: {  	v4 =	vld [tilespmem:s17+$0x9040];
	[tilespmem:s20+$0x3050] =	vst v3;
	v1 =	vmul.f32 v1, v11  }
0xdd: {  	v3 =	vld [tilespmem:s17+$0x9050];
	[tilespmem:s20+$0x3060] =	vst v2  }
0xde: {  	v2 =	vld [tilespmem:s17+$0x9060];
	[tilespmem:s20+$0x3070] =	vst v1;
	s20 =	smov.u32 s17  }
0xdf: {  	v1 =	vld [tilespmem:s20+$0x9070]  }
0xe0: {  	v7 =	vld [tilespmem:s20+$0x3000]  }
0xe1: {  	v8 =	vld [tilespmem:s20+$0x3010]  }
.Ltmp2:
0xe2: {  	v11 =	vld [tilespmem:s20+$0x3020];
	(pc) =	sbr.rel @p0 .LBB2_7-.Ltmp2, $4  }
0xe3: {  	v10 =	vld [tilespmem:s20+$0x3030]  }
0xe4: {  	v9 =	vld [tilespmem:s20+$0x3040]  }
0xe5: {  	v13 =	vmul.f32 v13, v7;
	v7 =	vld [tilespmem:s20+$0x3050]  }
0xe6: {  	s16 =	sadd.s32 $0x200, s16;
	v12 =	vmul.f32 v12, v8;
	v8 =	vld [tilespmem:s20+$0x3060]  }
0xe7: {  	[tilespmem:s20+$0x3000] =	vst v13;
	v6 =	vmul.f32 v6, v11;
	v63 =	vld [tilespmem:s20+$0x3070]  }
0xe8: {  	[tilespmem:s20+$0x3010] =	vst v12;
	v5 =	vmul.f32 v5, v10  }
0xe9: {  	s19 =	sadd.s32 $0x1, s19;
	[tilespmem:s20+$0x3020] =	vst v6;
	v4 =	vmul.f32 v4, v9  }
0xea: {  	p0 =	sne.s32 s19, $0x35;
	[tilespmem:s20+$0x3030] =	vst v5;
	v3 =	vmul.f32 v3, v7  }
.Ltmp3:
0xeb: {  	[tilespmem:s20+$0x3040] =	vst v4;
	v2 =	vmul.f32 v2, v8;
	(pc) =	sbr.rel @p0 .LBB2_4-.Ltmp3, $4  }
0xec: {  	[tilespmem:s20+$0x3050] =	vst v3;
	v1 =	vmul.f32 v1, v63  }
0xed: {  	[tilespmem:s20+$0x3060] =	vst v2  }
0xee: {  	[tilespmem:s20+$0x3070] =	vst v1  }
0xef: {  	[spmem:s2] =	stream.indirect.scatter.add.f32 [tilespmem:s9], [sflag:$0x6], $0x80, s15, s0, $0xb8;
	[tilespmem:$0x1FF00] =	vst v63  }
0xf0: {  	s16 =	simm.s32 $0x5  }
0xf1: {  	_ =	swait.ge [sflag:s16], $0x3000  }
0xf2: {  	[sflag:s16] =	ssyncset.done $0x0  }
0xf3: {  	s19 =	simm.s32 $0x6;
	[sflag:s16] =	ssyncadd.s32 $0xFFFFD000  }
0xf4: {  	_ =	swait.ge [sflag:s19], $0x3000  }
0xf5: {  	[sflag:s19] =	ssyncset.done $0x0  }
0xf6: {  	s20 =	stileid.u32;
	[sflag:s19] =	ssyncadd.s32 $0xFFFFD000  }
0xf7: {  	s17 =	sshrl.u32 s13, $0x3;
	s16 =	sshll.u32 s20, $0x6;
	[bflag:$0x0] =	sbarrier.arrive $0xFFFF  }
0xf8: {  	s23 =	simm.s32 $0xA;
	s16 =	sor.u32 $0x1C0A, s16;
	s18 =	rddreg [dreg:$0xf]  }
0xf9: {  	[hbm:s18], [sflag:s16] =	dma.local [spmem:s17], $0x2780  }
0xfa: {  	_ =	swait.ge [sflag:s23], $0x2780  }
0xfb: {  	s25 =	sadd.s32 $0x1, s25;
	s24 =	rddreg [dreg:$0x10]  }
0xfc: {  	p0 =	sne.s32 s25, s24  }
.Ltmp4:
0xfd: {  	_ = 	snop;
	(pc) =	sbr.rel @p0 .LBB2_1-.Ltmp4, $3  }
0xfe: {  	_ =	sdelay $0x1  }
0xff: {  	[sflag:s23] =	ssyncset.done $0x0  }
0x100: {  	s17 =	simm.s32 $0xC000;
	[sflag:s23] =	ssyncadd.s32 $0xFFFFD880  }
0x101: {  	_ =	sfence.sel $0x180000  }
0x102: {  	[bflag:$0x0] =	sbarrier.arrive $0xFFFF  }
0x103: {  	_ =	strace $0x90000047  }
0x104: {  	s0 =	stileid.u32;
	[bflag:$0x2] =	sbarrier.arrive $0xFFFF  }
0x105: {  	p0 =	sne.s32 s0, $0x0;
	s0 =	rddreg [dreg:$0x3]  }
0x106: {  	s0 =	sadd.s32 @!p0 $0x100000, s0  }
0x107: {  	[sflag:s0] =	ssyncadd.tile.s32 @!p0 $0x1;
	_ =	shalt  }
.Lfunc_end2:
_tile_overlayer_lowered:
.L_overlay_start_2:
0x108: {  	(tag) =	ssettag $0x2  }
0x109: {  	s0 =	rddreg [dreg:$0x0];
	s2 =	stileid.u32  }
0x10a: {  	s1 =	rddreg [dreg:$0x1];
	p0 =	sne.s32 s2, $0x0  }
0x10b: {  	s3 =	rddreg [dreg:$0x2];
	[bflag:$0x3] =	sbarrier.arrive $0xFFFF;
	s2 =	simm.s32 @!p0 $0x1C0A  }
0x10c: {  	[timem:s3], [sflag:s2] =	dma.local @!p0 [hbm:s0], s1  }
0x10d: {  	s0 =	simm.s32 @!p0 $0xA  }
0x10e: {  	_ =	swait.ge @!p0 [sflag:s0], s1  }
0x10f: {  	s1 =	ssub.s32 @!p0 $0x0, s1;
	[sflag:s0] =	ssyncset.done @!p0 $0x0  }
0x110: {  	[sflag:s0] =	ssyncadd.s32 @!p0 s1  }
0x111: {  	[bflag:$0x3] =	sbarrier.arrive $0xFFFF  }
0x112: {  	_ =	shalt  }

</sc_bundles>
